<compile_context>
chip_gen: v7x
topology: tpu7x:2x2x1
jax: 0.10.2.dev20260603
libtpu: 0.0.44.dev20260713+nightly
codegen_flags: <defaults>
</compile_context>

<pallas_src>
import functools

import jax
import jax.numpy as jnp
from jax import lax
from jax.experimental import pallas as pl
from jax.experimental.pallas import tpu as pltpu
from jax.experimental.pallas import tpu_sc as plsc

_INFO = plsc.get_sparse_core_info()
_NC = _INFO.num_cores
_NS = _INFO.num_subcores
_L = _INFO.num_lanes
_NW = _NC * _NS

_N = 65536
_W = 512
_BPW = _N // _NW
_CH = 128
_NCHUNK = _BPW // _CH

_mesh = plsc.VectorSubcoreMesh(core_axis_name="c", subcore_axis_name="s")


@functools.partial(
    pl.kernel,
    mesh=_mesh,
    out_type=jax.ShapeDtypeStruct((_N,), jnp.float32),
    scratch_types=[
        pltpu.VMEM((_BPW,), jnp.int32),
        pltpu.VMEM((_BPW,), jnp.int32),
        pltpu.VMEM((_NCHUNK, _CH), jnp.int32),
        pltpu.VMEM((_BPW,), jnp.float32),
        pltpu.SemaphoreType.DMA,
        pltpu.SemaphoreType.DMA,
    ],
)
def _gather2d_sc(xs_hbm, ys_hbm, table_hbm, out_hbm, xs_v, ys_v, idx_v,
                 val_v, sem, sem_in):
    wid = lax.axis_index("s") * _NC + lax.axis_index("c")
    base = wid * _BPW
    _HALF = _BPW // 2
    c0 = pltpu.async_copy(xs_hbm.at[pl.ds(base, _CH)],
                          xs_v.at[pl.ds(0, _CH)], sem_in)
    c1 = pltpu.async_copy(ys_hbm.at[pl.ds(base, _CH)],
                          ys_v.at[pl.ds(0, _CH)], sem_in)
    c2 = pltpu.async_copy(xs_hbm.at[pl.ds(base + _CH, _HALF - _CH)],
                          xs_v.at[pl.ds(_CH, _HALF - _CH)], sem_in)
    c3 = pltpu.async_copy(ys_hbm.at[pl.ds(base + _CH, _HALF - _CH)],
                          ys_v.at[pl.ds(_CH, _HALF - _CH)], sem_in)
    c4 = pltpu.async_copy(xs_hbm.at[pl.ds(base + _HALF, _HALF)],
                          xs_v.at[pl.ds(_HALF, _HALF)], sem_in)
    c5 = pltpu.async_copy(ys_hbm.at[pl.ds(base + _HALF, _HALF)],
                          ys_v.at[pl.ds(_HALF, _HALF)], sem_in)

    def chunk(j, _):
        for k in range(_CH // _L):
            x = xs_v[pl.ds(j * _CH + k * _L, _L)]
            y = ys_v[pl.ds(j * _CH + k * _L, _L)]
            idx_v[j, pl.ds(k * _L, _L)] = y * _W + x
        pltpu.async_copy(table_hbm.at[idx_v.at[j]],
                         val_v.at[pl.ds(j * _CH, _CH)], sem)
        return 0

    c0.wait()
    c1.wait()
    chunk(0, 0)
    c2.wait()
    c3.wait()
    lax.fori_loop(1, _NCHUNK // 2, chunk, 0)
    c4.wait()
    c5.wait()
    lax.fori_loop(_NCHUNK // 2, _NCHUNK, chunk, 0)
    pltpu.make_async_copy(out_hbm.at[pl.ds(base, _BPW)], val_v, sem).wait()
    pltpu.sync_copy(val_v, out_hbm.at[pl.ds(base, _BPW)])


def kernel(kpts, im):
    kt = kpts.T
    out = _gather2d_sc(kt[0], kt[1], im[0, 0].reshape(-1))
    return out.reshape(1, 1, _N)

# --- scband reference (transcript-rebuilt; emitter-appended) ---
"""Pipeline reference for scband-gather2d-71949292142876 (READ-ONLY COPY).

The authoritative reference and input builder live on the scoring server;
editing this copy changes nothing except your own understanding.
"""

import jax, jax.numpy as jnp
import numpy as np


def setup_inputs(seed: int = 0) -> dict:
    key = jax.random.key(seed)
    k1, k2 = jax.random.split(key)
    kpts = jax.random.randint(k1, (65536, 2), 0, 512, dtype=jnp.int32)
    im = jax.random.normal(k2, (1, 96, 512, 512), dtype=jnp.float32)
    return {"kpts": kpts, "im": im}


def reference(kpts, im):
    # Faithful translation of Gather2d.forward
    if kpts.shape[-1] > 2:
        kpts = kpts[..., :2]
    if im.ndim <= 3:
        im = im[None]
    b, c, h, w = im.shape
    im_flat = im.reshape(b, c, h * w)
    kpts_flat = kpts.reshape(-1, 2)
    kpts_idxs = (w * kpts_flat[:, 1] + kpts_flat[:, 0]).astype(jnp.int32)
    # torch.gather(im_flat, -1, idx[None, None, :]) with index dims (1,1,N):
    # out[0,0,k] = im_flat[0, 0, idx[k]]
    out = jnp.take(im_flat[0, 0], kpts_idxs, axis=0)[None, None, :]
    return out

if __name__ == "__main__":
    import jax
    _d = setup_inputs()
    print(jax.jit(kernel)(*tuple(_d.values())))

</pallas_src>

<mosaic_0001>
#map = affine_map<(d0, d1) -> (0)>
module attributes {stable_mosaic.version = 14 : i64} {
  func.func @_gather2d_sc(%arg0: i32, %arg1: i32, %arg2: memref<65536xi32, #tpu.memory_space<hbm>>, %arg3: memref<65536xi32, #tpu.memory_space<hbm>>, %arg4: memref<262144xf32, #tpu.memory_space<hbm>>, %arg5: memref<65536xf32, #tpu.memory_space<hbm>>, %arg6: memref<2048xi32, #tpu.memory_space<vmem>>, %arg7: memref<2048xi32, #tpu.memory_space<vmem>>, %arg8: memref<16x128xi32, #tpu.memory_space<vmem>>, %arg9: memref<2048xf32, #tpu.memory_space<vmem>>, %arg10: memref<!tpu.dma_semaphore, #tpu.memory_space<semaphore_mem>>, %arg11: memref<!tpu.dma_semaphore, #tpu.memory_space<semaphore_mem>>) attributes {dimension_semantics = [#tpu.dimension_semantics<core_parallel>, #tpu.dimension_semantics<subcore_parallel>], iteration_bounds = array<i64: 2, 16>, scalar_prefetch = 0 : i64, scratch_operands = 6 : i64, tpu.core_type = #tpu.core_type<sc_vector_subcore>, window_params = [{transform_indices = #map}, {transform_indices = #map}, {transform_indices = #map}, {transform_indices = #map}]} {
    %mul3A = arith.constant 2 : i32
    %mul3A_0 = arith.muli %arg1, %mul3A : i32
    %add3A = arith.addi %mul3A_0, %arg0 : i32
    %mul3A_1 = arith.constant 2048 : i32
    %mul3A_2 = arith.muli %add3A, %mul3A_1 : i32
    %dma_start3A = arith.constant 0 : i32
    %dma_start3A_3 = tpu.memref_slice %arg6[%dma_start3A] : memref<2048xi32, #tpu.memory_space<vmem>> -> memref<128xi32, #tpu.memory_space<vmem>>
    %dma_start3A_4 = tpu.memref_slice %arg2[%mul3A_2] : memref<65536xi32, #tpu.memory_space<hbm>> -> memref<128xi32, #tpu.memory_space<hbm>>
    %dma_start3A_5 = arith.constant 0 : i32
    %dma_start3A_6 = tpu.memref_slice %arg6[%dma_start3A_5] : memref<2048xi32, #tpu.memory_space<vmem>> -> memref<128xi32, #tpu.memory_space<vmem>>
    %dma_start3A_7 = tpu.memref_slice %arg2[%mul3A_2] : memref<65536xi32, #tpu.memory_space<hbm>> -> memref<128xi32, #tpu.memory_space<hbm>>
    tpu.enqueue_dma source(%dma_start3A_7 : memref<128xi32, #tpu.memory_space<hbm>>) target(%dma_start3A_6 : memref<128xi32, #tpu.memory_space<vmem>>) target_semaphore(%arg11 : memref<!tpu.dma_semaphore, #tpu.memory_space<semaphore_mem>>)
    %dma_start3A_8 = arith.constant 0 : i32
    %dma_start3A_9 = tpu.memref_slice %arg7[%dma_start3A_8] : memref<2048xi32, #tpu.memory_space<vmem>> -> memref<128xi32, #tpu.memory_space<vmem>>
    %dma_start3A_10 = tpu.memref_slice %arg3[%mul3A_2] : memref<65536xi32, #tpu.memory_space<hbm>> -> memref<128xi32, #tpu.memory_space<hbm>>
    %dma_start3A_11 = arith.constant 0 : i32
    %dma_start3A_12 = tpu.memref_slice %arg7[%dma_start3A_11] : memref<2048xi32, #tpu.memory_space<vmem>> -> memref<128xi32, #tpu.memory_space<vmem>>
    %dma_start3A_13 = tpu.memref_slice %arg3[%mul3A_2] : memref<65536xi32, #tpu.memory_space<hbm>> -> memref<128xi32, #tpu.memory_space<hbm>>
    tpu.enqueue_dma source(%dma_start3A_13 : memref<128xi32, #tpu.memory_space<hbm>>) target(%dma_start3A_12 : memref<128xi32, #tpu.memory_space<vmem>>) target_semaphore(%arg11 : memref<!tpu.dma_semaphore, #tpu.memory_space<semaphore_mem>>)
    %add3A_14 = arith.constant 128 : i32
    %add3A_15 = arith.addi %mul3A_2, %add3A_14 : i32
    %dma_start3A_16 = arith.constant 128 : i32
    %dma_start3A_17 = tpu.memref_slice %arg6[%dma_start3A_16] : memref<2048xi32, #tpu.memory_space<vmem>> -> memref<896xi32, #tpu.memory_space<vmem>>
    %dma_start3A_18 = tpu.memref_slice %arg2[%add3A_15] : memref<65536xi32, #tpu.memory_space<hbm>> -> memref<896xi32, #tpu.memory_space<hbm>>
    %dma_start3A_19 = arith.constant 128 : i32
    %dma_start3A_20 = tpu.memref_slice %arg6[%dma_start3A_19] : memref<2048xi32, #tpu.memory_space<vmem>> -> memref<896xi32, #tpu.memory_space<vmem>>
    %dma_start3A_21 = tpu.memref_slice %arg2[%add3A_15] : memref<65536xi32, #tpu.memory_space<hbm>> -> memref<896xi32, #tpu.memory_space<hbm>>
    tpu.enqueue_dma source(%dma_start3A_21 : memref<896xi32, #tpu.memory_space<hbm>>) target(%dma_start3A_20 : memref<896xi32, #tpu.memory_space<vmem>>) target_semaphore(%arg11 : memref<!tpu.dma_semaphore, #tpu.memory_space<semaphore_mem>>)
    %add3A_22 = arith.constant 128 : i32
    %add3A_23 = arith.addi %mul3A_2, %add3A_22 : i32
    %dma_start3A_24 = arith.constant 128 : i32
    %dma_start3A_25 = tpu.memref_slice %arg7[%dma_start3A_24] : memref<2048xi32, #tpu.memory_space<vmem>> -> memref<896xi32, #tpu.memory_space<vmem>>
    %dma_start3A_26 = tpu.memref_slice %arg3[%add3A_23] : memref<65536xi32, #tpu.memory_space<hbm>> -> memref<896xi32, #tpu.memory_space<hbm>>
    %dma_start3A_27 = arith.constant 128 : i32
    %dma_start3A_28 = tpu.memref_slice %arg7[%dma_start3A_27] : memref<2048xi32, #tpu.memory_space<vmem>> -> memref<896xi32, #tpu.memory_space<vmem>>
    %dma_start3A_29 = tpu.memref_slice %arg3[%add3A_23] : memref<65536xi32, #tpu.memory_space<hbm>> -> memref<896xi32, #tpu.memory_space<hbm>>
    tpu.enqueue_dma source(%dma_start3A_29 : memref<896xi32, #tpu.memory_space<hbm>>) target(%dma_start3A_28 : memref<896xi32, #tpu.memory_space<vmem>>) target_semaphore(%arg11 : memref<!tpu.dma_semaphore, #tpu.memory_space<semaphore_mem>>)
    %add3A_30 = arith.constant 1024 : i32
    %add3A_31 = arith.addi %mul3A_2, %add3A_30 : i32
    %dma_start3A_32 = arith.constant 1024 : i32
    %dma_start3A_33 = tpu.memref_slice %arg6[%dma_start3A_32] : memref<2048xi32, #tpu.memory_space<vmem>> -> memref<1024xi32, #tpu.memory_space<vmem>>
    %dma_start3A_34 = tpu.memref_slice %arg2[%add3A_31] : memref<65536xi32, #tpu.memory_space<hbm>> -> memref<1024xi32, #tpu.memory_space<hbm>>
    %dma_start3A_35 = arith.constant 1024 : i32
    %dma_start3A_36 = tpu.memref_slice %arg6[%dma_start3A_35] : memref<2048xi32, #tpu.memory_space<vmem>> -> memref<1024xi32, #tpu.memory_space<vmem>>
    %dma_start3A_37 = tpu.memref_slice %arg2[%add3A_31] : memref<65536xi32, #tpu.memory_space<hbm>> -> memref<1024xi32, #tpu.memory_space<hbm>>
    tpu.enqueue_dma source(%dma_start3A_37 : memref<1024xi32, #tpu.memory_space<hbm>>) target(%dma_start3A_36 : memref<1024xi32, #tpu.memory_space<vmem>>) target_semaphore(%arg11 : memref<!tpu.dma_semaphore, #tpu.memory_space<semaphore_mem>>)
    %add3A_38 = arith.constant 1024 : i32
    %add3A_39 = arith.addi %mul3A_2, %add3A_38 : i32
    %dma_start3A_40 = arith.constant 1024 : i32
    %dma_start3A_41 = tpu.memref_slice %arg7[%dma_start3A_40] : memref<2048xi32, #tpu.memory_space<vmem>> -> memref<1024xi32, #tpu.memory_space<vmem>>
    %dma_start3A_42 = tpu.memref_slice %arg3[%add3A_39] : memref<65536xi32, #tpu.memory_space<hbm>> -> memref<1024xi32, #tpu.memory_space<hbm>>
    %dma_start3A_43 = arith.constant 1024 : i32
    %dma_start3A_44 = tpu.memref_slice %arg7[%dma_start3A_43] : memref<2048xi32, #tpu.memory_space<vmem>> -> memref<1024xi32, #tpu.memory_space<vmem>>
    %dma_start3A_45 = tpu.memref_slice %arg3[%add3A_39] : memref<65536xi32, #tpu.memory_space<hbm>> -> memref<1024xi32, #tpu.memory_space<hbm>>
    tpu.enqueue_dma source(%dma_start3A_45 : memref<1024xi32, #tpu.memory_space<hbm>>) target(%dma_start3A_44 : memref<1024xi32, #tpu.memory_space<vmem>>) target_semaphore(%arg11 : memref<!tpu.dma_semaphore, #tpu.memory_space<semaphore_mem>>)
    %dma_wait3A = arith.constant 0 : i32
    %dma_wait3A_46 = tpu.memref_slice %arg6[%dma_wait3A] : memref<2048xi32, #tpu.memory_space<vmem>> -> memref<128xi32, #tpu.memory_space<vmem>>
    %dma_wait3A_47 = tpu.memref_slice %arg2[%mul3A_2] : memref<65536xi32, #tpu.memory_space<hbm>> -> memref<128xi32, #tpu.memory_space<hbm>>
    %dma_wait3A_48 = arith.constant 0 : i32
    %dma_wait3A_49 = tpu.memref_slice %arg6[%dma_wait3A_48] : memref<2048xi32, #tpu.memory_space<vmem>> -> memref<128xi32, #tpu.memory_space<vmem>>
    %dma_wait3A_50 = tpu.memref_slice %arg2[%mul3A_2] : memref<65536xi32, #tpu.memory_space<hbm>> -> memref<128xi32, #tpu.memory_space<hbm>>
    tpu.wait_dma2 semaphore(%arg11 : memref<!tpu.dma_semaphore, #tpu.memory_space<semaphore_mem>>) src(%dma_wait3A_50 : memref<128xi32, #tpu.memory_space<hbm>>) dst(%dma_wait3A_49 : memref<128xi32, #tpu.memory_space<vmem>>)
    %dma_wait3A_51 = arith.constant 0 : i32
    %dma_wait3A_52 = tpu.memref_slice %arg7[%dma_wait3A_51] : memref<2048xi32, #tpu.memory_space<vmem>> -> memref<128xi32, #tpu.memory_space<vmem>>
    %dma_wait3A_53 = tpu.memref_slice %arg3[%mul3A_2] : memref<65536xi32, #tpu.memory_space<hbm>> -> memref<128xi32, #tpu.memory_space<hbm>>
    %dma_wait3A_54 = arith.constant 0 : i32
    %dma_wait3A_55 = tpu.memref_slice %arg7[%dma_wait3A_54] : memref<2048xi32, #tpu.memory_space<vmem>> -> memref<128xi32, #tpu.memory_space<vmem>>
    %dma_wait3A_56 = tpu.memref_slice %arg3[%mul3A_2] : memref<65536xi32, #tpu.memory_space<hbm>> -> memref<128xi32, #tpu.memory_space<hbm>>
    tpu.wait_dma2 semaphore(%arg11 : memref<!tpu.dma_semaphore, #tpu.memory_space<semaphore_mem>>) src(%dma_wait3A_56 : memref<128xi32, #tpu.memory_space<hbm>>) dst(%dma_wait3A_55 : memref<128xi32, #tpu.memory_space<vmem>>)
    %get3A = arith.constant 0 : index
    %get3A_57 = tpu.vector_load %arg6[%get3A] {strides = array<i32>} : memref<2048xi32, #tpu.memory_space<vmem>>, vector<16xi32>,
    %get3A_58 = vector.shape_cast %get3A_57 : vector<16xi32> to vector<16xi32>
    %get3A_59 = arith.constant 0 : index
    %get3A_60 = tpu.vector_load %arg7[%get3A_59] {strides = array<i32>} : memref<2048xi32, #tpu.memory_space<vmem>>, vector<16xi32>,
    %get3A_61 = vector.shape_cast %get3A_60 : vector<16xi32> to vector<16xi32>
    %mul3A_62 = arith.constant 512 : i32
    %mul3A_63 = vector.broadcast %mul3A_62 : i32 to vector<16xi32>
    %mul3A_64 = arith.muli %get3A_61, %mul3A_63 : vector<16xi32>
    %add3A_65 = arith.addi %mul3A_64, %get3A_58 : vector<16xi32>
    %swap3A = arith.constant 0 : i32
    %swap3A_66 = arith.index_cast %swap3A : i32 to index
    %swap3A_67 = arith.constant 0 : index
    %swap3A_68 = tpu.vector_load %arg8[%swap3A_66, %swap3A_67] {strides = array<i32>} : memref<16x128xi32, #tpu.memory_space<vmem>>, vector<1x16xi32>,
    %swap3A_69 = vector.shape_cast %swap3A_68 : vector<1x16xi32> to vector<16xi32>
    %swap3A_70 = vector.shape_cast %add3A_65 : vector<16xi32> to vector<1x16xi32>
    tpu.vector_store %arg8[%swap3A_66, %swap3A_67], %swap3A_70 {strides = array<i32>} : memref<16x128xi32, #tpu.memory_space<vmem>>, vector<1x16xi32>,
    %get3A_71 = arith.constant 16 : index
    %get3A_72 = tpu.vector_load %arg6[%get3A_71] {strides = array<i32>} : memref<2048xi32, #tpu.memory_space<vmem>>, vector<16xi32>,
    %get3A_73 = vector.shape_cast %get3A_72 : vector<16xi32> to vector<16xi32>
    %get3A_74 = arith.constant 16 : index
    %get3A_75 = tpu.vector_load %arg7[%get3A_74] {strides = array<i32>} : memref<2048xi32, #tpu.memory_space<vmem>>, vector<16xi32>,
    %get3A_76 = vector.shape_cast %get3A_75 : vector<16xi32> to vector<16xi32>
    %mul3A_77 = arith.constant 512 : i32
    %mul3A_78 = vector.broadcast %mul3A_77 : i32 to vector<16xi32>
    %mul3A_79 = arith.muli %get3A_76, %mul3A_78 : vector<16xi32>
    %add3A_80 = arith.addi %mul3A_79, %get3A_73 : vector<16xi32>
    %swap3A_81 = arith.constant 0 : i32
    %swap3A_82 = arith.index_cast %swap3A_81 : i32 to index
    %swap3A_83 = arith.constant 16 : index
    %swap3A_84 = tpu.vector_load %arg8[%swap3A_82, %swap3A_83] {strides = array<i32>} : memref<16x128xi32, #tpu.memory_space<vmem>>, vector<1x16xi32>,
    %swap3A_85 = vector.shape_cast %swap3A_84 : vector<1x16xi32> to vector<16xi32>
    %swap3A_86 = vector.shape_cast %add3A_80 : vector<16xi32> to vector<1x16xi32>
    tpu.vector_store %arg8[%swap3A_82, %swap3A_83], %swap3A_86 {strides = array<i32>} : memref<16x128xi32, #tpu.memory_space<vmem>>, vector<1x16xi32>,
    %get3A_87 = arith.constant 32 : index
    %get3A_88 = tpu.vector_load %arg6[%get3A_87] {strides = array<i32>} : memref<2048xi32, #tpu.memory_space<vmem>>, vector<16xi32>,
    %get3A_89 = vector.shape_cast %get3A_88 : vector<16xi32> to vector<16xi32>
    %get3A_90 = arith.constant 32 : index
    %get3A_91 = tpu.vector_load %arg7[%get3A_90] {strides = array<i32>} : memref<2048xi32, #tpu.memory_space<vmem>>, vector<16xi32>,
    %get3A_92 = vector.shape_cast %get3A_91 : vector<16xi32> to vector<16xi32>
    %mul3A_93 = arith.constant 512 : i32
    %mul3A_94 = vector.broadcast %mul3A_93 : i32 to vector<16xi32>
    %mul3A_95 = arith.muli %get3A_92, %mul3A_94 : vector<16xi32>
    %add3A_96 = arith.addi %mul3A_95, %get3A_89 : vector<16xi32>
    %swap3A_97 = arith.constant 0 : i32
    %swap3A_98 = arith.index_cast %swap3A_97 : i32 to index
    %swap3A_99 = arith.constant 32 : index
    %swap3A_100 = tpu.vector_load %arg8[%swap3A_98, %swap3A_99] {strides = array<i32>} : memref<16x128xi32, #tpu.memory_space<vmem>>, vector<1x16xi32>,
    %swap3A_101 = vector.shape_cast %swap3A_100 : vector<1x16xi32> to vector<16xi32>
    %swap3A_102 = vector.shape_cast %add3A_96 : vector<16xi32> to vector<1x16xi32>
    tpu.vector_store %arg8[%swap3A_98, %swap3A_99], %swap3A_102 {strides = array<i32>} : memref<16x128xi32, #tpu.memory_space<vmem>>, vector<1x16xi32>,
    %get3A_103 = arith.constant 48 : index
    %get3A_104 = tpu.vector_load %arg6[%get3A_103] {strides = array<i32>} : memref<2048xi32, #tpu.memory_space<vmem>>, vector<16xi32>,
    %get3A_105 = vector.shape_cast %get3A_104 : vector<16xi32> to vector<16xi32>
    %get3A_106 = arith.constant 48 : index
    %get3A_107 = tpu.vector_load %arg7[%get3A_106] {strides = array<i32>} : memref<2048xi32, #tpu.memory_space<vmem>>, vector<16xi32>,
    %get3A_108 = vector.shape_cast %get3A_107 : vector<16xi32> to vector<16xi32>
    %mul3A_109 = arith.constant 512 : i32
    %mul3A_110 = vector.broadcast %mul3A_109 : i32 to vector<16xi32>
    %mul3A_111 = arith.muli %get3A_108, %mul3A_110 : vector<16xi32>
    %add3A_112 = arith.addi %mul3A_111, %get3A_105 : vector<16xi32>
    %swap3A_113 = arith.constant 0 : i32
    %swap3A_114 = arith.index_cast %swap3A_113 : i32 to index
    %swap3A_115 = arith.constant 48 : index
    %swap3A_116 = tpu.vector_load %arg8[%swap3A_114, %swap3A_115] {strides = array<i32>} : memref<16x128xi32, #tpu.memory_space<vmem>>, vector<1x16xi32>,
    %swap3A_117 = vector.shape_cast %swap3A_116 : vector<1x16xi32> to vector<16xi32>
    %swap3A_118 = vector.shape_cast %add3A_112 : vector<16xi32> to vector<1x16xi32>
    tpu.vector_store %arg8[%swap3A_114, %swap3A_115], %swap3A_118 {strides = array<i32>} : memref<16x128xi32, #tpu.memory_space<vmem>>, vector<1x16xi32>,
    %get3A_119 = arith.constant 64 : index
    %get3A_120 = tpu.vector_load %arg6[%get3A_119] {strides = array<i32>} : memref<2048xi32, #tpu.memory_space<vmem>>, vector<16xi32>,
    %get3A_121 = vector.shape_cast %get3A_120 : vector<16xi32> to vector<16xi32>
    %get3A_122 = arith.constant 64 : index
    %get3A_123 = tpu.vector_load %arg7[%get3A_122] {strides = array<i32>} : memref<2048xi32, #tpu.memory_space<vmem>>, vector<16xi32>,
    %get3A_124 = vector.shape_cast %get3A_123 : vector<16xi32> to vector<16xi32>
    %mul3A_125 = arith.constant 512 : i32
    %mul3A_126 = vector.broadcast %mul3A_125 : i32 to vector<16xi32>
    %mul3A_127 = arith.muli %get3A_124, %mul3A_126 : vector<16xi32>
    %add3A_128 = arith.addi %mul3A_127, %get3A_121 : vector<16xi32>
    %swap3A_129 = arith.constant 0 : i32
    %swap3A_130 = arith.index_cast %swap3A_129 : i32 to index
    %swap3A_131 = arith.constant 64 : index
    %swap3A_132 = tpu.vector_load %arg8[%swap3A_130, %swap3A_131] {strides = array<i32>} : memref<16x128xi32, #tpu.memory_space<vmem>>, vector<1x16xi32>,
    %swap3A_133 = vector.shape_cast %swap3A_132 : vector<1x16xi32> to vector<16xi32>
    %swap3A_134 = vector.shape_cast %add3A_128 : vector<16xi32> to vector<1x16xi32>
    tpu.vector_store %arg8[%swap3A_130, %swap3A_131], %swap3A_134 {strides = array<i32>} : memref<16x128xi32, #tpu.memory_space<vmem>>, vector<1x16xi32>,
    %get3A_135 = arith.constant 80 : index
    %get3A_136 = tpu.vector_load %arg6[%get3A_135] {strides = array<i32>} : memref<2048xi32, #tpu.memory_space<vmem>>, vector<16xi32>,
    %get3A_137 = vector.shape_cast %get3A_136 : vector<16xi32> to vector<16xi32>
    %get3A_138 = arith.constant 80 : index
    %get3A_139 = tpu.vector_load %arg7[%get3A_138] {strides = array<i32>} : memref<2048xi32, #tpu.memory_space<vmem>>, vector<16xi32>,
    %get3A_140 = vector.shape_cast %get3A_139 : vector<16xi32> to vector<16xi32>
    %mul3A_141 = arith.constant 512 : i32
    %mul3A_142 = vector.broadcast %mul3A_141 : i32 to vector<16xi32>
    %mul3A_143 = arith.muli %get3A_140, %mul3A_142 : vector<16xi32>
    %add3A_144 = arith.addi %mul3A_143, %get3A_137 : vector<16xi32>
    %swap3A_145 = arith.constant 0 : i32
    %swap3A_146 = arith.index_cast %swap3A_145 : i32 to index
    %swap3A_147 = arith.constant 80 : index
    %swap3A_148 = tpu.vector_load %arg8[%swap3A_146, %swap3A_147] {strides = array<i32>} : memref<16x128xi32, #tpu.memory_space<vmem>>, vector<1x16xi32>,
    %swap3A_149 = vector.shape_cast %swap3A_148 : vector<1x16xi32> to vector<16xi32>
    %swap3A_150 = vector.shape_cast %add3A_144 : vector<16xi32> to vector<1x16xi32>
    tpu.vector_store %arg8[%swap3A_146, %swap3A_147], %swap3A_150 {strides = array<i32>} : memref<16x128xi32, #tpu.memory_space<vmem>>, vector<1x16xi32>,
    %get3A_151 = arith.constant 96 : index
    %get3A_152 = tpu.vector_load %arg6[%get3A_151] {strides = array<i32>} : memref<2048xi32, #tpu.memory_space<vmem>>, vector<16xi32>,
    %get3A_153 = vector.shape_cast %get3A_152 : vector<16xi32> to vector<16xi32>
    %get3A_154 = arith.constant 96 : index
    %get3A_155 = tpu.vector_load %arg7[%get3A_154] {strides = array<i32>} : memref<2048xi32, #tpu.memory_space<vmem>>, vector<16xi32>,
    %get3A_156 = vector.shape_cast %get3A_155 : vector<16xi32> to vector<16xi32>
    %mul3A_157 = arith.constant 512 : i32
    %mul3A_158 = vector.broadcast %mul3A_157 : i32 to vector<16xi32>
    %mul3A_159 = arith.muli %get3A_156, %mul3A_158 : vector<16xi32>
    %add3A_160 = arith.addi %mul3A_159, %get3A_153 : vector<16xi32>
    %swap3A_161 = arith.constant 0 : i32
    %swap3A_162 = arith.index_cast %swap3A_161 : i32 to index
    %swap3A_163 = arith.constant 96 : index
    %swap3A_164 = tpu.vector_load %arg8[%swap3A_162, %swap3A_163] {strides = array<i32>} : memref<16x128xi32, #tpu.memory_space<vmem>>, vector<1x16xi32>,
    %swap3A_165 = vector.shape_cast %swap3A_164 : vector<1x16xi32> to vector<16xi32>
    %swap3A_166 = vector.shape_cast %add3A_160 : vector<16xi32> to vector<1x16xi32>
    tpu.vector_store %arg8[%swap3A_162, %swap3A_163], %swap3A_166 {strides = array<i32>} : memref<16x128xi32, #tpu.memory_space<vmem>>, vector<1x16xi32>,
    %get3A_167 = arith.constant 112 : index
    %get3A_168 = tpu.vector_load %arg6[%get3A_167] {strides = array<i32>} : memref<2048xi32, #tpu.memory_space<vmem>>, vector<16xi32>,
    %get3A_169 = vector.shape_cast %get3A_168 : vector<16xi32> to vector<16xi32>
    %get3A_170 = arith.constant 112 : index
    %get3A_171 = tpu.vector_load %arg7[%get3A_170] {strides = array<i32>} : memref<2048xi32, #tpu.memory_space<vmem>>, vector<16xi32>,
    %get3A_172 = vector.shape_cast %get3A_171 : vector<16xi32> to vector<16xi32>
    %mul3A_173 = arith.constant 512 : i32
    %mul3A_174 = vector.broadcast %mul3A_173 : i32 to vector<16xi32>
    %mul3A_175 = arith.muli %get3A_172, %mul3A_174 : vector<16xi32>
    %add3A_176 = arith.addi %mul3A_175, %get3A_169 : vector<16xi32>
    %swap3A_177 = arith.constant 0 : i32
    %swap3A_178 = arith.index_cast %swap3A_177 : i32 to index
    %swap3A_179 = arith.constant 112 : index
    %swap3A_180 = tpu.vector_load %arg8[%swap3A_178, %swap3A_179] {strides = array<i32>} : memref<16x128xi32, #tpu.memory_space<vmem>>, vector<1x16xi32>,
    %swap3A_181 = vector.shape_cast %swap3A_180 : vector<1x16xi32> to vector<16xi32>
    %swap3A_182 = vector.shape_cast %add3A_176 : vector<16xi32> to vector<1x16xi32>
    tpu.vector_store %arg8[%swap3A_178, %swap3A_179], %swap3A_182 {strides = array<i32>} : memref<16x128xi32, #tpu.memory_space<vmem>>, vector<1x16xi32>,
    %dma_start3A_183 = arith.constant 0 : i32
    %dma_start3A_184 = arith.constant 0 : i32
    %dma_start3A_185 = tpu.memref_slice %arg9[%dma_start3A_184] : memref<2048xf32, #tpu.memory_space<vmem>> -> memref<128xf32, #tpu.memory_space<vmem>>
    %dma_start3A_186 = arith.constant 0 : i32
    %dma_start3A_187 = tpu.memref_slice %arg8[%dma_start3A_183, %dma_start3A_186] : memref<16x128xi32, #tpu.memory_space<vmem>> -> memref<1x128xi32, #tpu.memory_space<vmem>>
    %dma_start3A_188 = tpu.memref_squeeze %dma_start3A_187 : memref<1x128xi32, #tpu.memory_space<vmem>> -> memref<128xi32, #tpu.memory_space<vmem>>
    %dma_start3A_189 = arith.constant 0 : i32
    %dma_start3A_190 = tpu.memref_slice %arg4[%dma_start3A_189] : memref<262144xf32, #tpu.memory_space<hbm>> -> memref<262144xf32, #tpu.memory_space<hbm>>
    tpu.enqueue_indirect_dma source(%dma_start3A_190 : memref<262144xf32, #tpu.memory_space<hbm>>) target(%dma_start3A_185 : memref<128xf32, #tpu.memory_space<vmem>>) offsets(%dma_start3A_188 : memref<128xi32, #tpu.memory_space<vmem>>) semaphore(%arg10 : memref<!tpu.dma_semaphore, #tpu.memory_space<semaphore_mem>>)
    %dma_wait3A_191 = arith.constant 128 : i32
    %dma_wait3A_192 = tpu.memref_slice %arg6[%dma_wait3A_191] : memref<2048xi32, #tpu.memory_space<vmem>> -> memref<896xi32, #tpu.memory_space<vmem>>
    %dma_wait3A_193 = tpu.memref_slice %arg2[%add3A_15] : memref<65536xi32, #tpu.memory_space<hbm>> -> memref<896xi32, #tpu.memory_space<hbm>>
    %dma_wait3A_194 = arith.constant 128 : i32
    %dma_wait3A_195 = tpu.memref_slice %arg6[%dma_wait3A_194] : memref<2048xi32, #tpu.memory_space<vmem>> -> memref<896xi32, #tpu.memory_space<vmem>>
    %dma_wait3A_196 = tpu.memref_slice %arg2[%add3A_15] : memref<65536xi32, #tpu.memory_space<hbm>> -> memref<896xi32, #tpu.memory_space<hbm>>
    tpu.wait_dma2 semaphore(%arg11 : memref<!tpu.dma_semaphore, #tpu.memory_space<semaphore_mem>>) src(%dma_wait3A_196 : memref<896xi32, #tpu.memory_space<hbm>>) dst(%dma_wait3A_195 : memref<896xi32, #tpu.memory_space<vmem>>)
    %dma_wait3A_197 = arith.constant 128 : i32
    %dma_wait3A_198 = tpu.memref_slice %arg7[%dma_wait3A_197] : memref<2048xi32, #tpu.memory_space<vmem>> -> memref<896xi32, #tpu.memory_space<vmem>>
    %dma_wait3A_199 = tpu.memref_slice %arg3[%add3A_23] : memref<65536xi32, #tpu.memory_space<hbm>> -> memref<896xi32, #tpu.memory_space<hbm>>
    %dma_wait3A_200 = arith.constant 128 : i32
    %dma_wait3A_201 = tpu.memref_slice %arg7[%dma_wait3A_200] : memref<2048xi32, #tpu.memory_space<vmem>> -> memref<896xi32, #tpu.memory_space<vmem>>
    %dma_wait3A_202 = tpu.memref_slice %arg3[%add3A_23] : memref<65536xi32, #tpu.memory_space<hbm>> -> memref<896xi32, #tpu.memory_space<hbm>>
    tpu.wait_dma2 semaphore(%arg11 : memref<!tpu.dma_semaphore, #tpu.memory_space<semaphore_mem>>) src(%dma_wait3A_202 : memref<896xi32, #tpu.memory_space<hbm>>) dst(%dma_wait3A_201 : memref<896xi32, #tpu.memory_space<vmem>>)
    %scan3A = arith.constant 0 : i32
    %scan3A_203 = arith.constant 1 : i32
    %scan3A_204 = arith.constant 7 : i32
    %scan3A_205 = arith.addi %scan3A_203, %scan3A_204 : i32
    %scan3A_206 = arith.constant 1 : i32
    %scan3A_207 = scf.for %scan3A_230 = %scan3A_203 to %scan3A_205 step %scan3A_206 iter_args(%scan3A_231 = %scan3A) -> (i32)  : i32 {
      %mul3A_232 = arith.constant 128 : i32
      %mul3A_233 = arith.muli %scan3A_230, %mul3A_232 : i32
      %add3A_234 = arith.constant 0 : i32
      %add3A_235 = arith.addi %mul3A_233, %add3A_234 : i32
      %get3A_236 = arith.index_cast %add3A_235 : i32 to index
      %get3A_237 = tpu.vector_load %arg6[%get3A_236] {strides = array<i32>} : memref<2048xi32, #tpu.memory_space<vmem>>, vector<16xi32>,
      %get3A_238 = vector.shape_cast %get3A_237 : vector<16xi32> to vector<16xi32>
      %mul3A_239 = arith.constant 128 : i32
      %mul3A_240 = arith.muli %scan3A_230, %mul3A_239 : i32
      %add3A_241 = arith.constant 0 : i32
      %add3A_242 = arith.addi %mul3A_240, %add3A_241 : i32
      %get3A_243 = arith.index_cast %add3A_242 : i32 to index
      %get3A_244 = tpu.vector_load %arg7[%get3A_243] {strides = array<i32>} : memref<2048xi32, #tpu.memory_space<vmem>>, vector<16xi32>,
      %get3A_245 = vector.shape_cast %get3A_244 : vector<16xi32> to vector<16xi32>
      %mul3A_246 = arith.constant 512 : i32
      %mul3A_247 = vector.broadcast %mul3A_246 : i32 to vector<16xi32>
      %mul3A_248 = arith.muli %get3A_245, %mul3A_247 : vector<16xi32>
      %add3A_249 = arith.addi %mul3A_248, %get3A_238 : vector<16xi32>
      %swap3A_250 = arith.index_cast %scan3A_230 : i32 to index
      %swap3A_251 = arith.constant 0 : index
      %swap3A_252 = tpu.vector_load %arg8[%swap3A_250, %swap3A_251] {strides = array<i32>} : memref<16x128xi32, #tpu.memory_space<vmem>>, vector<1x16xi32>,
      %swap3A_253 = vector.shape_cast %swap3A_252 : vector<1x16xi32> to vector<16xi32>
      %swap3A_254 = vector.shape_cast %add3A_249 : vector<16xi32> to vector<1x16xi32>
      tpu.vector_store %arg8[%swap3A_250, %swap3A_251], %swap3A_254 {strides = array<i32>} : memref<16x128xi32, #tpu.memory_space<vmem>>, vector<1x16xi32>,
      %mul3A_255 = arith.constant 128 : i32
      %mul3A_256 = arith.muli %scan3A_230, %mul3A_255 : i32
      %add3A_257 = arith.constant 16 : i32
      %add3A_258 = arith.addi %mul3A_256, %add3A_257 : i32
      %get3A_259 = arith.index_cast %add3A_258 : i32 to index
      %get3A_260 = tpu.vector_load %arg6[%get3A_259] {strides = array<i32>} : memref<2048xi32, #tpu.memory_space<vmem>>, vector<16xi32>,
      %get3A_261 = vector.shape_cast %get3A_260 : vector<16xi32> to vector<16xi32>
      %mul3A_262 = arith.constant 128 : i32
      %mul3A_263 = arith.muli %scan3A_230, %mul3A_262 : i32
      %add3A_264 = arith.constant 16 : i32
      %add3A_265 = arith.addi %mul3A_263, %add3A_264 : i32
      %get3A_266 = arith.index_cast %add3A_265 : i32 to index
      %get3A_267 = tpu.vector_load %arg7[%get3A_266] {strides = array<i32>} : memref<2048xi32, #tpu.memory_space<vmem>>, vector<16xi32>,
      %get3A_268 = vector.shape_cast %get3A_267 : vector<16xi32> to vector<16xi32>
      %mul3A_269 = arith.constant 512 : i32
      %mul3A_270 = vector.broadcast %mul3A_269 : i32 to vector<16xi32>
      %mul3A_271 = arith.muli %get3A_268, %mul3A_270 : vector<16xi32>
      %add3A_272 = arith.addi %mul3A_271, %get3A_261 : vector<16xi32>
      %swap3A_273 = arith.index_cast %scan3A_230 : i32 to index
      %swap3A_274 = arith.constant 16 : index
      %swap3A_275 = tpu.vector_load %arg8[%swap3A_273, %swap3A_274] {strides = array<i32>} : memref<16x128xi32, #tpu.memory_space<vmem>>, vector<1x16xi32>,
      %swap3A_276 = vector.shape_cast %swap3A_275 : vector<1x16xi32> to vector<16xi32>
      %swap3A_277 = vector.shape_cast %add3A_272 : vector<16xi32> to vector<1x16xi32>
      tpu.vector_store %arg8[%swap3A_273, %swap3A_274], %swap3A_277 {strides = array<i32>} : memref<16x128xi32, #tpu.memory_space<vmem>>, vector<1x16xi32>,
      %mul3A_278 = arith.constant 128 : i32
      %mul3A_279 = arith.muli %scan3A_230, %mul3A_278 : i32
      %add3A_280 = arith.constant 32 : i32
      %add3A_281 = arith.addi %mul3A_279, %add3A_280 : i32
      %get3A_282 = arith.index_cast %add3A_281 : i32 to index
      %get3A_283 = tpu.vector_load %arg6[%get3A_282] {strides = array<i32>} : memref<2048xi32, #tpu.memory_space<vmem>>, vector<16xi32>,
      %get3A_284 = vector.shape_cast %get3A_283 : vector<16xi32> to vector<16xi32>
      %mul3A_285 = arith.constant 128 : i32
      %mul3A_286 = arith.muli %scan3A_230, %mul3A_285 : i32
      %add3A_287 = arith.constant 32 : i32
      %add3A_288 = arith.addi %mul3A_286, %add3A_287 : i32
      %get3A_289 = arith.index_cast %add3A_288 : i32 to index
      %get3A_290 = tpu.vector_load %arg7[%get3A_289] {strides = array<i32>} : memref<2048xi32, #tpu.memory_space<vmem>>, vector<16xi32>,
      %get3A_291 = vector.shape_cast %get3A_290 : vector<16xi32> to vector<16xi32>
      %mul3A_292 = arith.constant 512 : i32
      %mul3A_293 = vector.broadcast %mul3A_292 : i32 to vector<16xi32>
      %mul3A_294 = arith.muli %get3A_291, %mul3A_293 : vector<16xi32>
      %add3A_295 = arith.addi %mul3A_294, %get3A_284 : vector<16xi32>
      %swap3A_296 = arith.index_cast %scan3A_230 : i32 to index
      %swap3A_297 = arith.constant 32 : index
      %swap3A_298 = tpu.vector_load %arg8[%swap3A_296, %swap3A_297] {strides = array<i32>} : memref<16x128xi32, #tpu.memory_space<vmem>>, vector<1x16xi32>,
      %swap3A_299 = vector.shape_cast %swap3A_298 : vector<1x16xi32> to vector<16xi32>
      %swap3A_300 = vector.shape_cast %add3A_295 : vector<16xi32> to vector<1x16xi32>
      tpu.vector_store %arg8[%swap3A_296, %swap3A_297], %swap3A_300 {strides = array<i32>} : memref<16x128xi32, #tpu.memory_space<vmem>>, vector<1x16xi32>,
      %mul3A_301 = arith.constant 128 : i32
      %mul3A_302 = arith.muli %scan3A_230, %mul3A_301 : i32
      %add3A_303 = arith.constant 48 : i32
      %add3A_304 = arith.addi %mul3A_302, %add3A_303 : i32
      %get3A_305 = arith.index_cast %add3A_304 : i32 to index
      %get3A_306 = tpu.vector_load %arg6[%get3A_305] {strides = array<i32>} : memref<2048xi32, #tpu.memory_space<vmem>>, vector<16xi32>,
      %get3A_307 = vector.shape_cast %get3A_306 : vector<16xi32> to vector<16xi32>
      %mul3A_308 = arith.constant 128 : i32
      %mul3A_309 = arith.muli %scan3A_230, %mul3A_308 : i32
      %add3A_310 = arith.constant 48 : i32
      %add3A_311 = arith.addi %mul3A_309, %add3A_310 : i32
      %get3A_312 = arith.index_cast %add3A_311 : i32 to index
      %get3A_313 = tpu.vector_load %arg7[%get3A_312] {strides = array<i32>} : memref<2048xi32, #tpu.memory_space<vmem>>, vector<16xi32>,
      %get3A_314 = vector.shape_cast %get3A_313 : vector<16xi32> to vector<16xi32>
      %mul3A_315 = arith.constant 512 : i32
      %mul3A_316 = vector.broadcast %mul3A_315 : i32 to vector<16xi32>
      %mul3A_317 = arith.muli %get3A_314, %mul3A_316 : vector<16xi32>
      %add3A_318 = arith.addi %mul3A_317, %get3A_307 : vector<16xi32>
      %swap3A_319 = arith.index_cast %scan3A_230 : i32 to index
      %swap3A_320 = arith.constant 48 : index
      %swap3A_321 = tpu.vector_load %arg8[%swap3A_319, %swap3A_320] {strides = array<i32>} : memref<16x128xi32, #tpu.memory_space<vmem>>, vector<1x16xi32>,
      %swap3A_322 = vector.shape_cast %swap3A_321 : vector<1x16xi32> to vector<16xi32>
      %swap3A_323 = vector.shape_cast %add3A_318 : vector<16xi32> to vector<1x16xi32>
      tpu.vector_store %arg8[%swap3A_319, %swap3A_320], %swap3A_323 {strides = array<i32>} : memref<16x128xi32, #tpu.memory_space<vmem>>, vector<1x16xi32>,
      %mul3A_324 = arith.constant 128 : i32
      %mul3A_325 = arith.muli %scan3A_230, %mul3A_324 : i32
      %add3A_326 = arith.constant 64 : i32
      %add3A_327 = arith.addi %mul3A_325, %add3A_326 : i32
      %get3A_328 = arith.index_cast %add3A_327 : i32 to index
      %get3A_329 = tpu.vector_load %arg6[%get3A_328] {strides = array<i32>} : memref<2048xi32, #tpu.memory_space<vmem>>, vector<16xi32>,
      %get3A_330 = vector.shape_cast %get3A_329 : vector<16xi32> to vector<16xi32>
      %mul3A_331 = arith.constant 128 : i32
      %mul3A_332 = arith.muli %scan3A_230, %mul3A_331 : i32
      %add3A_333 = arith.constant 64 : i32
      %add3A_334 = arith.addi %mul3A_332, %add3A_333 : i32
      %get3A_335 = arith.index_cast %add3A_334 : i32 to index
      %get3A_336 = tpu.vector_load %arg7[%get3A_335] {strides = array<i32>} : memref<2048xi32, #tpu.memory_space<vmem>>, vector<16xi32>,
      %get3A_337 = vector.shape_cast %get3A_336 : vector<16xi32> to vector<16xi32>
      %mul3A_338 = arith.constant 512 : i32
      %mul3A_339 = vector.broadcast %mul3A_338 : i32 to vector<16xi32>
      %mul3A_340 = arith.muli %get3A_337, %mul3A_339 : vector<16xi32>
      %add3A_341 = arith.addi %mul3A_340, %get3A_330 : vector<16xi32>
      %swap3A_342 = arith.index_cast %scan3A_230 : i32 to index
      %swap3A_343 = arith.constant 64 : index
      %swap3A_344 = tpu.vector_load %arg8[%swap3A_342, %swap3A_343] {strides = array<i32>} : memref<16x128xi32, #tpu.memory_space<vmem>>, vector<1x16xi32>,
      %swap3A_345 = vector.shape_cast %swap3A_344 : vector<1x16xi32> to vector<16xi32>
      %swap3A_346 = vector.shape_cast %add3A_341 : vector<16xi32> to vector<1x16xi32>
      tpu.vector_store %arg8[%swap3A_342, %swap3A_343], %swap3A_346 {strides = array<i32>} : memref<16x128xi32, #tpu.memory_space<vmem>>, vector<1x16xi32>,
      %mul3A_347 = arith.constant 128 : i32
      %mul3A_348 = arith.muli %scan3A_230, %mul3A_347 : i32
      %add3A_349 = arith.constant 80 : i32
      %add3A_350 = arith.addi %mul3A_348, %add3A_349 : i32
      %get3A_351 = arith.index_cast %add3A_350 : i32 to index
      %get3A_352 = tpu.vector_load %arg6[%get3A_351] {strides = array<i32>} : memref<2048xi32, #tpu.memory_space<vmem>>, vector<16xi32>,
      %get3A_353 = vector.shape_cast %get3A_352 : vector<16xi32> to vector<16xi32>
      %mul3A_354 = arith.constant 128 : i32
      %mul3A_355 = arith.muli %scan3A_230, %mul3A_354 : i32
      %add3A_356 = arith.constant 80 : i32
      %add3A_357 = arith.addi %mul3A_355, %add3A_356 : i32
      %get3A_358 = arith.index_cast %add3A_357 : i32 to index
      %get3A_359 = tpu.vector_load %arg7[%get3A_358] {strides = array<i32>} : memref<2048xi32, #tpu.memory_space<vmem>>, vector<16xi32>,
      %get3A_360 = vector.shape_cast %get3A_359 : vector<16xi32> to vector<16xi32>
      %mul3A_361 = arith.constant 512 : i32
      %mul3A_362 = vector.broadcast %mul3A_361 : i32 to vector<16xi32>
      %mul3A_363 = arith.muli %get3A_360, %mul3A_362 : vector<16xi32>
      %add3A_364 = arith.addi %mul3A_363, %get3A_353 : vector<16xi32>
      %swap3A_365 = arith.index_cast %scan3A_230 : i32 to index
      %swap3A_366 = arith.constant 80 : index
      %swap3A_367 = tpu.vector_load %arg8[%swap3A_365, %swap3A_366] {strides = array<i32>} : memref<16x128xi32, #tpu.memory_space<vmem>>, vector<1x16xi32>,
      %swap3A_368 = vector.shape_cast %swap3A_367 : vector<1x16xi32> to vector<16xi32>
      %swap3A_369 = vector.shape_cast %add3A_364 : vector<16xi32> to vector<1x16xi32>
      tpu.vector_store %arg8[%swap3A_365, %swap3A_366], %swap3A_369 {strides = array<i32>} : memref<16x128xi32, #tpu.memory_space<vmem>>, vector<1x16xi32>,
      %mul3A_370 = arith.constant 128 : i32
      %mul3A_371 = arith.muli %scan3A_230, %mul3A_370 : i32
      %add3A_372 = arith.constant 96 : i32
      %add3A_373 = arith.addi %mul3A_371, %add3A_372 : i32
      %get3A_374 = arith.index_cast %add3A_373 : i32 to index
      %get3A_375 = tpu.vector_load %arg6[%get3A_374] {strides = array<i32>} : memref<2048xi32, #tpu.memory_space<vmem>>, vector<16xi32>,
      %get3A_376 = vector.shape_cast %get3A_375 : vector<16xi32> to vector<16xi32>
      %mul3A_377 = arith.constant 128 : i32
      %mul3A_378 = arith.muli %scan3A_230, %mul3A_377 : i32
      %add3A_379 = arith.constant 96 : i32
      %add3A_380 = arith.addi %mul3A_378, %add3A_379 : i32
      %get3A_381 = arith.index_cast %add3A_380 : i32 to index
      %get3A_382 = tpu.vector_load %arg7[%get3A_381] {strides = array<i32>} : memref<2048xi32, #tpu.memory_space<vmem>>, vector<16xi32>,
      %get3A_383 = vector.shape_cast %get3A_382 : vector<16xi32> to vector<16xi32>
      %mul3A_384 = arith.constant 512 : i32
      %mul3A_385 = vector.broadcast %mul3A_384 : i32 to vector<16xi32>
      %mul3A_386 = arith.muli %get3A_383, %mul3A_385 : vector<16xi32>
      %add3A_387 = arith.addi %mul3A_386, %get3A_376 : vector<16xi32>
      %swap3A_388 = arith.index_cast %scan3A_230 : i32 to index
      %swap3A_389 = arith.constant 96 : index
      %swap3A_390 = tpu.vector_load %arg8[%swap3A_388, %swap3A_389] {strides = array<i32>} : memref<16x128xi32, #tpu.memory_space<vmem>>, vector<1x16xi32>,
      %swap3A_391 = vector.shape_cast %swap3A_390 : vector<1x16xi32> to vector<16xi32>
      %swap3A_392 = vector.shape_cast %add3A_387 : vector<16xi32> to vector<1x16xi32>
      tpu.vector_store %arg8[%swap3A_388, %swap3A_389], %swap3A_392 {strides = array<i32>} : memref<16x128xi32, #tpu.memory_space<vmem>>, vector<1x16xi32>,
      %mul3A_393 = arith.constant 128 : i32
      %mul3A_394 = arith.muli %scan3A_230, %mul3A_393 : i32
      %add3A_395 = arith.constant 112 : i32
      %add3A_396 = arith.addi %mul3A_394, %add3A_395 : i32
      %get3A_397 = arith.index_cast %add3A_396 : i32 to index
      %get3A_398 = tpu.vector_load %arg6[%get3A_397] {strides = array<i32>} : memref<2048xi32, #tpu.memory_space<vmem>>, vector<16xi32>,
      %get3A_399 = vector.shape_cast %get3A_398 : vector<16xi32> to vector<16xi32>
      %mul3A_400 = arith.constant 128 : i32
      %mul3A_401 = arith.muli %scan3A_230, %mul3A_400 : i32
      %add3A_402 = arith.constant 112 : i32
      %add3A_403 = arith.addi %mul3A_401, %add3A_402 : i32
      %get3A_404 = arith.index_cast %add3A_403 : i32 to index
      %get3A_405 = tpu.vector_load %arg7[%get3A_404] {strides = array<i32>} : memref<2048xi32, #tpu.memory_space<vmem>>, vector<16xi32>,
      %get3A_406 = vector.shape_cast %get3A_405 : vector<16xi32> to vector<16xi32>
      %mul3A_407 = arith.constant 512 : i32
      %mul3A_408 = vector.broadcast %mul3A_407 : i32 to vector<16xi32>
      %mul3A_409 = arith.muli %get3A_406, %mul3A_408 : vector<16xi32>
      %add3A_410 = arith.addi %mul3A_409, %get3A_399 : vector<16xi32>
      %swap3A_411 = arith.index_cast %scan3A_230 : i32 to index
      %swap3A_412 = arith.constant 112 : index
      %swap3A_413 = tpu.vector_load %arg8[%swap3A_411, %swap3A_412] {strides = array<i32>} : memref<16x128xi32, #tpu.memory_space<vmem>>, vector<1x16xi32>,
      %swap3A_414 = vector.shape_cast %swap3A_413 : vector<1x16xi32> to vector<16xi32>
      %swap3A_415 = vector.shape_cast %add3A_410 : vector<16xi32> to vector<1x16xi32>
      tpu.vector_store %arg8[%swap3A_411, %swap3A_412], %swap3A_415 {strides = array<i32>} : memref<16x128xi32, #tpu.memory_space<vmem>>, vector<1x16xi32>,
      %mul3A_416 = arith.constant 128 : i32
      %mul3A_417 = arith.muli %scan3A_230, %mul3A_416 : i32
      %dma_start3A_418 = tpu.memref_slice %arg9[%mul3A_417] : memref<2048xf32, #tpu.memory_space<vmem>> -> memref<128xf32, #tpu.memory_space<vmem>>
      %dma_start3A_419 = arith.constant 0 : i32
      %dma_start3A_420 = tpu.memref_slice %arg8[%scan3A_230, %dma_start3A_419] : memref<16x128xi32, #tpu.memory_space<vmem>> -> memref<1x128xi32, #tpu.memory_space<vmem>>
      %dma_start3A_421 = tpu.memref_squeeze %dma_start3A_420 : memref<1x128xi32, #tpu.memory_space<vmem>> -> memref<128xi32, #tpu.memory_space<vmem>>
      %dma_start3A_422 = arith.constant 0 : i32
      %dma_start3A_423 = tpu.memref_slice %arg4[%dma_start3A_422] : memref<262144xf32, #tpu.memory_space<hbm>> -> memref<262144xf32, #tpu.memory_space<hbm>>
      tpu.enqueue_indirect_dma source(%dma_start3A_423 : memref<262144xf32, #tpu.memory_space<hbm>>) target(%dma_start3A_418 : memref<128xf32, #tpu.memory_space<vmem>>) offsets(%dma_start3A_421 : memref<128xi32, #tpu.memory_space<vmem>>) semaphore(%arg10 : memref<!tpu.dma_semaphore, #tpu.memory_space<semaphore_mem>>)
      %scan3A_424 = arith.constant 0 : i32
      scf.yield %scan3A_424 : i32
    }
    %scan3A_208 = arith.constant 7 : i32
    %dma_wait3A_209 = arith.constant 1024 : i32
    %dma_wait3A_210 = tpu.memref_slice %arg6[%dma_wait3A_209] : memref<2048xi32, #tpu.memory_space<vmem>> -> memref<1024xi32, #tpu.memory_space<vmem>>
    %dma_wait3A_211 = tpu.memref_slice %arg2[%add3A_31] : memref<65536xi32, #tpu.memory_space<hbm>> -> memref<1024xi32, #tpu.memory_space<hbm>>
    %dma_wait3A_212 = arith.constant 1024 : i32
    %dma_wait3A_213 = tpu.memref_slice %arg6[%dma_wait3A_212] : memref<2048xi32, #tpu.memory_space<vmem>> -> memref<1024xi32, #tpu.memory_space<vmem>>
    %dma_wait3A_214 = tpu.memref_slice %arg2[%add3A_31] : memref<65536xi32, #tpu.memory_space<hbm>> -> memref<1024xi32, #tpu.memory_space<hbm>>
    tpu.wait_dma2 semaphore(%arg11 : memref<!tpu.dma_semaphore, #tpu.memory_space<semaphore_mem>>) src(%dma_wait3A_214 : memref<1024xi32, #tpu.memory_space<hbm>>) dst(%dma_wait3A_213 : memref<1024xi32, #tpu.memory_space<vmem>>)
    %dma_wait3A_215 = arith.constant 1024 : i32
    %dma_wait3A_216 = tpu.memref_slice %arg7[%dma_wait3A_215] : memref<2048xi32, #tpu.memory_space<vmem>> -> memref<1024xi32, #tpu.memory_space<vmem>>
    %dma_wait3A_217 = tpu.memref_slice %arg3[%add3A_39] : memref<65536xi32, #tpu.memory_space<hbm>> -> memref<1024xi32, #tpu.memory_space<hbm>>
    %dma_wait3A_218 = arith.constant 1024 : i32
    %dma_wait3A_219 = tpu.memref_slice %arg7[%dma_wait3A_218] : memref<2048xi32, #tpu.memory_space<vmem>> -> memref<1024xi32, #tpu.memory_space<vmem>>
    %dma_wait3A_220 = tpu.memref_slice %arg3[%add3A_39] : memref<65536xi32, #tpu.memory_space<hbm>> -> memref<1024xi32, #tpu.memory_space<hbm>>
    tpu.wait_dma2 semaphore(%arg11 : memref<!tpu.dma_semaphore, #tpu.memory_space<semaphore_mem>>) src(%dma_wait3A_220 : memref<1024xi32, #tpu.memory_space<hbm>>) dst(%dma_wait3A_219 : memref<1024xi32, #tpu.memory_space<vmem>>)
    %scan3A_221 = arith.constant 0 : i32
    %scan3A_222 = arith.constant 8 : i32
    %scan3A_223 = arith.constant 8 : i32
    %scan3A_224 = arith.addi %scan3A_222, %scan3A_223 : i32
    %scan3A_225 = arith.constant 1 : i32
    %scan3A_226 = scf.for %scan3A_230 = %scan3A_222 to %scan3A_224 step %scan3A_225 iter_args(%scan3A_231 = %scan3A_221) -> (i32)  : i32 {
      %mul3A_232 = arith.constant 128 : i32
      %mul3A_233 = arith.muli %scan3A_230, %mul3A_232 : i32
      %add3A_234 = arith.constant 0 : i32
      %add3A_235 = arith.addi %mul3A_233, %add3A_234 : i32
      %get3A_236 = arith.index_cast %add3A_235 : i32 to index
      %get3A_237 = tpu.vector_load %arg6[%get3A_236] {strides = array<i32>} : memref<2048xi32, #tpu.memory_space<vmem>>, vector<16xi32>,
      %get3A_238 = vector.shape_cast %get3A_237 : vector<16xi32> to vector<16xi32>
      %mul3A_239 = arith.constant 128 : i32
      %mul3A_240 = arith.muli %scan3A_230, %mul3A_239 : i32
      %add3A_241 = arith.constant 0 : i32
      %add3A_242 = arith.addi %mul3A_240, %add3A_241 : i32
      %get3A_243 = arith.index_cast %add3A_242 : i32 to index
      %get3A_244 = tpu.vector_load %arg7[%get3A_243] {strides = array<i32>} : memref<2048xi32, #tpu.memory_space<vmem>>, vector<16xi32>,
      %get3A_245 = vector.shape_cast %get3A_244 : vector<16xi32> to vector<16xi32>
      %mul3A_246 = arith.constant 512 : i32
      %mul3A_247 = vector.broadcast %mul3A_246 : i32 to vector<16xi32>
      %mul3A_248 = arith.muli %get3A_245, %mul3A_247 : vector<16xi32>
      %add3A_249 = arith.addi %mul3A_248, %get3A_238 : vector<16xi32>
      %swap3A_250 = arith.index_cast %scan3A_230 : i32 to index
      %swap3A_251 = arith.constant 0 : index
      %swap3A_252 = tpu.vector_load %arg8[%swap3A_250, %swap3A_251] {strides = array<i32>} : memref<16x128xi32, #tpu.memory_space<vmem>>, vector<1x16xi32>,
      %swap3A_253 = vector.shape_cast %swap3A_252 : vector<1x16xi32> to vector<16xi32>
      %swap3A_254 = vector.shape_cast %add3A_249 : vector<16xi32> to vector<1x16xi32>
      tpu.vector_store %arg8[%swap3A_250, %swap3A_251], %swap3A_254 {strides = array<i32>} : memref<16x128xi32, #tpu.memory_space<vmem>>, vector<1x16xi32>,
      %mul3A_255 = arith.constant 128 : i32
      %mul3A_256 = arith.muli %scan3A_230, %mul3A_255 : i32
      %add3A_257 = arith.constant 16 : i32
      %add3A_258 = arith.addi %mul3A_256, %add3A_257 : i32
      %get3A_259 = arith.index_cast %add3A_258 : i32 to index
      %get3A_260 = tpu.vector_load %arg6[%get3A_259] {strides = array<i32>} : memref<2048xi32, #tpu.memory_space<vmem>>, vector<16xi32>,
      %get3A_261 = vector.shape_cast %get3A_260 : vector<16xi32> to vector<16xi32>
      %mul3A_262 = arith.constant 128 : i32
      %mul3A_263 = arith.muli %scan3A_230, %mul3A_262 : i32
      %add3A_264 = arith.constant 16 : i32
      %add3A_265 = arith.addi %mul3A_263, %add3A_264 : i32
      %get3A_266 = arith.index_cast %add3A_265 : i32 to index
      %get3A_267 = tpu.vector_load %arg7[%get3A_266] {strides = array<i32>} : memref<2048xi32, #tpu.memory_space<vmem>>, vector<16xi32>,
      %get3A_268 = vector.shape_cast %get3A_267 : vector<16xi32> to vector<16xi32>
      %mul3A_269 = arith.constant 512 : i32
      %mul3A_270 = vector.broadcast %mul3A_269 : i32 to vector<16xi32>
      %mul3A_271 = arith.muli %get3A_268, %mul3A_270 : vector<16xi32>
      %add3A_272 = arith.addi %mul3A_271, %get3A_261 : vector<16xi32>
      %swap3A_273 = arith.index_cast %scan3A_230 : i32 to index
      %swap3A_274 = arith.constant 16 : index
      %swap3A_275 = tpu.vector_load %arg8[%swap3A_273, %swap3A_274] {strides = array<i32>} : memref<16x128xi32, #tpu.memory_space<vmem>>, vector<1x16xi32>,
      %swap3A_276 = vector.shape_cast %swap3A_275 : vector<1x16xi32> to vector<16xi32>
      %swap3A_277 = vector.shape_cast %add3A_272 : vector<16xi32> to vector<1x16xi32>
      tpu.vector_store %arg8[%swap3A_273, %swap3A_274], %swap3A_277 {strides = array<i32>} : memref<16x128xi32, #tpu.memory_space<vmem>>, vector<1x16xi32>,
      %mul3A_278 = arith.constant 128 : i32
      %mul3A_279 = arith.muli %scan3A_230, %mul3A_278 : i32
      %add3A_280 = arith.constant 32 : i32
      %add3A_281 = arith.addi %mul3A_279, %add3A_280 : i32
      %get3A_282 = arith.index_cast %add3A_281 : i32 to index
      %get3A_283 = tpu.vector_load %arg6[%get3A_282] {strides = array<i32>} : memref<2048xi32, #tpu.memory_space<vmem>>, vector<16xi32>,
      %get3A_284 = vector.shape_cast %get3A_283 : vector<16xi32> to vector<16xi32>
      %mul3A_285 = arith.constant 128 : i32
      %mul3A_286 = arith.muli %scan3A_230, %mul3A_285 : i32
      %add3A_287 = arith.constant 32 : i32
      %add3A_288 = arith.addi %mul3A_286, %add3A_287 : i32
      %get3A_289 = arith.index_cast %add3A_288 : i32 to index
      %get3A_290 = tpu.vector_load %arg7[%get3A_289] {strides = array<i32>} : memref<2048xi32, #tpu.memory_space<vmem>>, vector<16xi32>,
      %get3A_291 = vector.shape_cast %get3A_290 : vector<16xi32> to vector<16xi32>
      %mul3A_292 = arith.constant 512 : i32
      %mul3A_293 = vector.broadcast %mul3A_292 : i32 to vector<16xi32>
      %mul3A_294 = arith.muli %get3A_291, %mul3A_293 : vector<16xi32>
      %add3A_295 = arith.addi %mul3A_294, %get3A_284 : vector<16xi32>
      %swap3A_296 = arith.index_cast %scan3A_230 : i32 to index
      %swap3A_297 = arith.constant 32 : index
      %swap3A_298 = tpu.vector_load %arg8[%swap3A_296, %swap3A_297] {strides = array<i32>} : memref<16x128xi32, #tpu.memory_space<vmem>>, vector<1x16xi32>,
      %swap3A_299 = vector.shape_cast %swap3A_298 : vector<1x16xi32> to vector<16xi32>
      %swap3A_300 = vector.shape_cast %add3A_295 : vector<16xi32> to vector<1x16xi32>
      tpu.vector_store %arg8[%swap3A_296, %swap3A_297], %swap3A_300 {strides = array<i32>} : memref<16x128xi32, #tpu.memory_space<vmem>>, vector<1x16xi32>,
      %mul3A_301 = arith.constant 128 : i32
      %mul3A_302 = arith.muli %scan3A_230, %mul3A_301 : i32
      %add3A_303 = arith.constant 48 : i32
      %add3A_304 = arith.addi %mul3A_302, %add3A_303 : i32
      %get3A_305 = arith.index_cast %add3A_304 : i32 to index
      %get3A_306 = tpu.vector_load %arg6[%get3A_305] {strides = array<i32>} : memref<2048xi32, #tpu.memory_space<vmem>>, vector<16xi32>,
      %get3A_307 = vector.shape_cast %get3A_306 : vector<16xi32> to vector<16xi32>
      %mul3A_308 = arith.constant 128 : i32
      %mul3A_309 = arith.muli %scan3A_230, %mul3A_308 : i32
      %add3A_310 = arith.constant 48 : i32
      %add3A_311 = arith.addi %mul3A_309, %add3A_310 : i32
      %get3A_312 = arith.index_cast %add3A_311 : i32 to index
      %get3A_313 = tpu.vector_load %arg7[%get3A_312] {strides = array<i32>} : memref<2048xi32, #tpu.memory_space<vmem>>, vector<16xi32>,
      %get3A_314 = vector.shape_cast %get3A_313 : vector<16xi32> to vector<16xi32>
      %mul3A_315 = arith.constant 512 : i32
      %mul3A_316 = vector.broadcast %mul3A_315 : i32 to vector<16xi32>
      %mul3A_317 = arith.muli %get3A_314, %mul3A_316 : vector<16xi32>
      %add3A_318 = arith.addi %mul3A_317, %get3A_307 : vector<16xi32>
      %swap3A_319 = arith.index_cast %scan3A_230 : i32 to index
      %swap3A_320 = arith.constant 48 : index
      %swap3A_321 = tpu.vector_load %arg8[%swap3A_319, %swap3A_320] {strides = array<i32>} : memref<16x128xi32, #tpu.memory_space<vmem>>, vector<1x16xi32>,
      %swap3A_322 = vector.shape_cast %swap3A_321 : vector<1x16xi32> to vector<16xi32>
      %swap3A_323 = vector.shape_cast %add3A_318 : vector<16xi32> to vector<1x16xi32>
      tpu.vector_store %arg8[%swap3A_319, %swap3A_320], %swap3A_323 {strides = array<i32>} : memref<16x128xi32, #tpu.memory_space<vmem>>, vector<1x16xi32>,
      %mul3A_324 = arith.constant 128 : i32
      %mul3A_325 = arith.muli %scan3A_230, %mul3A_324 : i32
      %add3A_326 = arith.constant 64 : i32
      %add3A_327 = arith.addi %mul3A_325, %add3A_326 : i32
      %get3A_328 = arith.index_cast %add3A_327 : i32 to index
      %get3A_329 = tpu.vector_load %arg6[%get3A_328] {strides = array<i32>} : memref<2048xi32, #tpu.memory_space<vmem>>, vector<16xi32>,
      %get3A_330 = vector.shape_cast %get3A_329 : vector<16xi32> to vector<16xi32>
      %mul3A_331 = arith.constant 128 : i32
      %mul3A_332 = arith.muli %scan3A_230, %mul3A_331 : i32
      %add3A_333 = arith.constant 64 : i32
      %add3A_334 = arith.addi %mul3A_332, %add3A_333 : i32
      %get3A_335 = arith.index_cast %add3A_334 : i32 to index
      %get3A_336 = tpu.vector_load %arg7[%get3A_335] {strides = array<i32>} : memref<2048xi32, #tpu.memory_space<vmem>>, vector<16xi32>,
      %get3A_337 = vector.shape_cast %get3A_336 : vector<16xi32> to vector<16xi32>
      %mul3A_338 = arith.constant 512 : i32
      %mul3A_339 = vector.broadcast %mul3A_338 : i32 to vector<16xi32>
      %mul3A_340 = arith.muli %get3A_337, %mul3A_339 : vector<16xi32>
      %add3A_341 = arith.addi %mul3A_340, %get3A_330 : vector<16xi32>
      %swap3A_342 = arith.index_cast %scan3A_230 : i32 to index
      %swap3A_343 = arith.constant 64 : index
      %swap3A_344 = tpu.vector_load %arg8[%swap3A_342, %swap3A_343] {strides = array<i32>} : memref<16x128xi32, #tpu.memory_space<vmem>>, vector<1x16xi32>,
      %swap3A_345 = vector.shape_cast %swap3A_344 : vector<1x16xi32> to vector<16xi32>
      %swap3A_346 = vector.shape_cast %add3A_341 : vector<16xi32> to vector<1x16xi32>
      tpu.vector_store %arg8[%swap3A_342, %swap3A_343], %swap3A_346 {strides = array<i32>} : memref<16x128xi32, #tpu.memory_space<vmem>>, vector<1x16xi32>,
      %mul3A_347 = arith.constant 128 : i32
      %mul3A_348 = arith.muli %scan3A_230, %mul3A_347 : i32
      %add3A_349 = arith.constant 80 : i32
      %add3A_350 = arith.addi %mul3A_348, %add3A_349 : i32
      %get3A_351 = arith.index_cast %add3A_350 : i32 to index
      %get3A_352 = tpu.vector_load %arg6[%get3A_351] {strides = array<i32>} : memref<2048xi32, #tpu.memory_space<vmem>>, vector<16xi32>,
      %get3A_353 = vector.shape_cast %get3A_352 : vector<16xi32> to vector<16xi32>
      %mul3A_354 = arith.constant 128 : i32
      %mul3A_355 = arith.muli %scan3A_230, %mul3A_354 : i32
      %add3A_356 = arith.constant 80 : i32
      %add3A_357 = arith.addi %mul3A_355, %add3A_356 : i32
      %get3A_358 = arith.index_cast %add3A_357 : i32 to index
      %get3A_359 = tpu.vector_load %arg7[%get3A_358] {strides = array<i32>} : memref<2048xi32, #tpu.memory_space<vmem>>, vector<16xi32>,
      %get3A_360 = vector.shape_cast %get3A_359 : vector<16xi32> to vector<16xi32>
      %mul3A_361 = arith.constant 512 : i32
      %mul3A_362 = vector.broadcast %mul3A_361 : i32 to vector<16xi32>
      %mul3A_363 = arith.muli %get3A_360, %mul3A_362 : vector<16xi32>
      %add3A_364 = arith.addi %mul3A_363, %get3A_353 : vector<16xi32>
      %swap3A_365 = arith.index_cast %scan3A_230 : i32 to index
      %swap3A_366 = arith.constant 80 : index
      %swap3A_367 = tpu.vector_load %arg8[%swap3A_365, %swap3A_366] {strides = array<i32>} : memref<16x128xi32, #tpu.memory_space<vmem>>, vector<1x16xi32>,
      %swap3A_368 = vector.shape_cast %swap3A_367 : vector<1x16xi32> to vector<16xi32>
      %swap3A_369 = vector.shape_cast %add3A_364 : vector<16xi32> to vector<1x16xi32>
      tpu.vector_store %arg8[%swap3A_365, %swap3A_366], %swap3A_369 {strides = array<i32>} : memref<16x128xi32, #tpu.memory_space<vmem>>, vector<1x16xi32>,
      %mul3A_370 = arith.constant 128 : i32
      %mul3A_371 = arith.muli %scan3A_230, %mul3A_370 : i32
      %add3A_372 = arith.constant 96 : i32
      %add3A_373 = arith.addi %mul3A_371, %add3A_372 : i32
      %get3A_374 = arith.index_cast %add3A_373 : i32 to index
      %get3A_375 = tpu.vector_load %arg6[%get3A_374] {strides = array<i32>} : memref<2048xi32, #tpu.memory_space<vmem>>, vector<16xi32>,
      %get3A_376 = vector.shape_cast %get3A_375 : vector<16xi32> to vector<16xi32>
      %mul3A_377 = arith.constant 128 : i32
      %mul3A_378 = arith.muli %scan3A_230, %mul3A_377 : i32
      %add3A_379 = arith.constant 96 : i32
      %add3A_380 = arith.addi %mul3A_378, %add3A_379 : i32
      %get3A_381 = arith.index_cast %add3A_380 : i32 to index
      %get3A_382 = tpu.vector_load %arg7[%get3A_381] {strides = array<i32>} : memref<2048xi32, #tpu.memory_space<vmem>>, vector<16xi32>,
      %get3A_383 = vector.shape_cast %get3A_382 : vector<16xi32> to vector<16xi32>
      %mul3A_384 = arith.constant 512 : i32
      %mul3A_385 = vector.broadcast %mul3A_384 : i32 to vector<16xi32>
      %mul3A_386 = arith.muli %get3A_383, %mul3A_385 : vector<16xi32>
      %add3A_387 = arith.addi %mul3A_386, %get3A_376 : vector<16xi32>
      %swap3A_388 = arith.index_cast %scan3A_230 : i32 to index
      %swap3A_389 = arith.constant 96 : index
      %swap3A_390 = tpu.vector_load %arg8[%swap3A_388, %swap3A_389] {strides = array<i32>} : memref<16x128xi32, #tpu.memory_space<vmem>>, vector<1x16xi32>,
      %swap3A_391 = vector.shape_cast %swap3A_390 : vector<1x16xi32> to vector<16xi32>
      %swap3A_392 = vector.shape_cast %add3A_387 : vector<16xi32> to vector<1x16xi32>
      tpu.vector_store %arg8[%swap3A_388, %swap3A_389], %swap3A_392 {strides = array<i32>} : memref<16x128xi32, #tpu.memory_space<vmem>>, vector<1x16xi32>,
      %mul3A_393 = arith.constant 128 : i32
      %mul3A_394 = arith.muli %scan3A_230, %mul3A_393 : i32
      %add3A_395 = arith.constant 112 : i32
      %add3A_396 = arith.addi %mul3A_394, %add3A_395 : i32
      %get3A_397 = arith.index_cast %add3A_396 : i32 to index
      %get3A_398 = tpu.vector_load %arg6[%get3A_397] {strides = array<i32>} : memref<2048xi32, #tpu.memory_space<vmem>>, vector<16xi32>,
      %get3A_399 = vector.shape_cast %get3A_398 : vector<16xi32> to vector<16xi32>
      %mul3A_400 = arith.constant 128 : i32
      %mul3A_401 = arith.muli %scan3A_230, %mul3A_400 : i32
      %add3A_402 = arith.constant 112 : i32
      %add3A_403 = arith.addi %mul3A_401, %add3A_402 : i32
      %get3A_404 = arith.index_cast %add3A_403 : i32 to index
      %get3A_405 = tpu.vector_load %arg7[%get3A_404] {strides = array<i32>} : memref<2048xi32, #tpu.memory_space<vmem>>, vector<16xi32>,
      %get3A_406 = vector.shape_cast %get3A_405 : vector<16xi32> to vector<16xi32>
      %mul3A_407 = arith.constant 512 : i32
      %mul3A_408 = vector.broadcast %mul3A_407 : i32 to vector<16xi32>
      %mul3A_409 = arith.muli %get3A_406, %mul3A_408 : vector<16xi32>
      %add3A_410 = arith.addi %mul3A_409, %get3A_399 : vector<16xi32>
      %swap3A_411 = arith.index_cast %scan3A_230 : i32 to index
      %swap3A_412 = arith.constant 112 : index
      %swap3A_413 = tpu.vector_load %arg8[%swap3A_411, %swap3A_412] {strides = array<i32>} : memref<16x128xi32, #tpu.memory_space<vmem>>, vector<1x16xi32>,
      %swap3A_414 = vector.shape_cast %swap3A_413 : vector<1x16xi32> to vector<16xi32>
      %swap3A_415 = vector.shape_cast %add3A_410 : vector<16xi32> to vector<1x16xi32>
      tpu.vector_store %arg8[%swap3A_411, %swap3A_412], %swap3A_415 {strides = array<i32>} : memref<16x128xi32, #tpu.memory_space<vmem>>, vector<1x16xi32>,
      %mul3A_416 = arith.constant 128 : i32
      %mul3A_417 = arith.muli %scan3A_230, %mul3A_416 : i32
      %dma_start3A_418 = tpu.memref_slice %arg9[%mul3A_417] : memref<2048xf32, #tpu.memory_space<vmem>> -> memref<128xf32, #tpu.memory_space<vmem>>
      %dma_start3A_419 = arith.constant 0 : i32
      %dma_start3A_420 = tpu.memref_slice %arg8[%scan3A_230, %dma_start3A_419] : memref<16x128xi32, #tpu.memory_space<vmem>> -> memref<1x128xi32, #tpu.memory_space<vmem>>
      %dma_start3A_421 = tpu.memref_squeeze %dma_start3A_420 : memref<1x128xi32, #tpu.memory_space<vmem>> -> memref<128xi32, #tpu.memory_space<vmem>>
      %dma_start3A_422 = arith.constant 0 : i32
      %dma_start3A_423 = tpu.memref_slice %arg4[%dma_start3A_422] : memref<262144xf32, #tpu.memory_space<hbm>> -> memref<262144xf32, #tpu.memory_space<hbm>>
      tpu.enqueue_indirect_dma source(%dma_start3A_423 : memref<262144xf32, #tpu.memory_space<hbm>>) target(%dma_start3A_418 : memref<128xf32, #tpu.memory_space<vmem>>) offsets(%dma_start3A_421 : memref<128xi32, #tpu.memory_space<vmem>>) semaphore(%arg10 : memref<!tpu.dma_semaphore, #tpu.memory_space<semaphore_mem>>)
      %scan3A_424 = arith.constant 0 : i32
      scf.yield %scan3A_424 : i32
    }
    %scan3A_227 = arith.constant 8 : i32
    %dma_wait3A_228 = tpu.memref_slice %arg5[%mul3A_2] : memref<65536xf32, #tpu.memory_space<hbm>> -> memref<2048xf32, #tpu.memory_space<hbm>>
    %dma_wait3A_229 = tpu.memref_slice %arg5[%mul3A_2] : memref<65536xf32, #tpu.memory_space<hbm>> -> memref<2048xf32, #tpu.memory_space<hbm>>
    tpu.wait_dma2 semaphore(%arg10 : memref<!tpu.dma_semaphore, #tpu.memory_space<semaphore_mem>>) src(%dma_wait3A_229 : memref<2048xf32, #tpu.memory_space<hbm>>) dst(%arg9 : memref<2048xf32, #tpu.memory_space<vmem>>)
    "tpu.region"() ({
      %run_scoped3A = tpu.sem_alloc : memref<!tpu.dma_semaphore, #tpu.memory_space<semaphore_mem>>
      %dma_start3A_230 = tpu.memref_slice %arg5[%mul3A_2] : memref<65536xf32, #tpu.memory_space<hbm>> -> memref<2048xf32, #tpu.memory_space<hbm>>
      %dma_start3A_231 = tpu.memref_slice %arg5[%mul3A_2] : memref<65536xf32, #tpu.memory_space<hbm>> -> memref<2048xf32, #tpu.memory_space<hbm>>
      tpu.enqueue_dma source(%arg9 : memref<2048xf32, #tpu.memory_space<vmem>>) target(%dma_start3A_231 : memref<2048xf32, #tpu.memory_space<hbm>>) target_semaphore(%run_scoped3A : memref<!tpu.dma_semaphore, #tpu.memory_space<semaphore_mem>>)
      %dma_wait3A_232 = tpu.memref_slice %arg5[%mul3A_2] : memref<65536xf32, #tpu.memory_space<hbm>> -> memref<2048xf32, #tpu.memory_space<hbm>>
      %dma_wait3A_233 = tpu.memref_slice %arg5[%mul3A_2] : memref<65536xf32, #tpu.memory_space<hbm>> -> memref<2048xf32, #tpu.memory_space<hbm>>
      tpu.wait_dma2 semaphore(%run_scoped3A : memref<!tpu.dma_semaphore, #tpu.memory_space<semaphore_mem>>) src(%arg9 : memref<2048xf32, #tpu.memory_space<vmem>>) dst(%dma_wait3A_233 : memref<2048xf32, #tpu.memory_space<hbm>>)
      tpu.yield
    }) : () -> ()
    return
  }
}

</mosaic_0001>

<sc_bundles>
// kernel: kernel.3.cloned.1.call-start
scs
__scs_entry_jumppad:
0x0: {  	(pc) =	sbr.rel $0x88, $3  }
0x1: {  	(tag) =	ssettag $0x0;
	lr =	simm.s32 $0x1  }
0x2: {  	[smem:$0x3F9F] =	sst lr;
	_ =	strace $0xD0000000  }
0x3: {  	_ = 	snop  }
0x4: {  	_ = 	snop  }
0x5: {  	_ = 	snop  }
0x6: {  	_ = 	snop  }
0x7: {  	_ = 	snop  }
__scs_overlays_trampoline_lowered:
0x8: {  	[smem:$0x3FAE] =	sst s0  }
0x9: {  	[smem:$0x3FAF] =	sst s1  }
0xa: {  	[smem:$0x3FB0] =	sst s2  }
0xb: {  	[smem:$0x3FB1] =	sst s3  }
0xc: {  	[smem:$0x3FB2] =	sst s4  }
0xd: {  	[smem:$0x3FB3] =	sst s5  }
0xe: {  	[smem:$0x3FB4] =	sst s6  }
0xf: {  	[smem:$0x3FB5] =	sst s7  }
0x10: {  	[smem:$0x3FB6] =	sst s8  }
0x11: {  	[smem:$0x3FB7] =	sst s9;
	s0 =	simm.s32 @!p0 $0x0  }
0x12: {  	s1 =	sld [smem:$0x3F9D];
	s0 =	simm.s32 @p0 $0x1  }
0x13: {  	[smem:$0x3FB8] =	sst s0;
	s0 =	simm.s32 @!p1 $0x0  }
0x14: {  	s2 =	sld [smem:$0x3F9C];
	s0 =	simm.s32 @p1 $0x1  }
0x15: {  	[smem:$0x3FB9] =	sst s0;
	s0 =	simm.s32 @!p2 $0x0  }
0x16: {  	s3 =	sld [smem:$0x3FDB];
	s0 =	simm.s32 @p2 $0x1  }
0x17: {  	s4 =	simm.s32 $0x1BF5;
	[smem:$0x3FBB] =	sst s0  }
0x18: {  	s0 =	sld [smem:$0x3F9E];
	_ =	swait.ge [sflag:s4], $0x0  }
0x19: {  	s7 =	sld [smem:$0x3F9F]  }
0x1a: {  	s8 =	sadd.s32 $0xFFFFE003, lr  }
0x1b: {  	s9 =	sadd.s32 $0xFFFFFEF7, lr;
	s5 =	simm.s32 $0xFFFFFFFF;
	p2 =	slt.u32 s8, $0xFFFFF086  }
0x1c: {  	p1 =	slt.u32 s9, $0xF7A;
	s5 =	simm.s32 @!p2 $0x0  }
0x1d: {  	s5 =	simm.s32 @p1 $0x1;
	p0 =	seq.s32 s7, s2  }
0x1e: {  	s7 =	smul.u32 @!p0 $0xF7A, s2;
	p2 =	seq.s32 @!p0 s5, $0x0  }
0x1f: {  	s9 =	smul.u32 $0xF7A, s1;
	s8 =	simm.s32 @!p0 $0x1BF5;
	p2 =	por !p2, p0  }
0x20: {  	[sflag:s8] =	ssyncset.s32 @!p0 $0xFFFFF086;
	s6 =	sadd.s32 @!p0 s3, s7;
	s7 =	simm.s32 @!p0 $0x108  }
0x21: {  	s3 =	sadd.s32 s3, s9;
	s6 =	sadd.s32 @!p0 $0x88, s6;
	s7 =	simm.s32 @p2 $0x1082  }
0x22: {  	[simem:s7], [sflag:s8] =	dma.local @!p0 [hbm:s6], $0xF7A  }
0x23: {  	s9 =	sor.u32 $0xD0000000, s2;
	s6 =	simm.s32 $0x108;
	_ =	swait.ge @!p0 [sflag:s8], $0x0  }
0x24: {  	s3 =	sadd.s32 $0x88, s3;
	s6 =	simm.s32 @!p1 $0x1082;
	[sflag:s4] =	ssyncset.s32 $0xFFFFF086  }
0x25: {  	[simem:s6], [sflag:s4] =	dma.local [hbm:s3], $0xF7A  }
0x26: {  	[smem:$0x3F9F] =	sst s1;
	(tag) =	ssettag s2;
	_ =	strace s9  }
0x27: {  	s1 =	sld [smem:$0x3FAF]  }
0x28: {  	s2 =	sld [smem:$0x3FB0]  }
0x29: {  	s4 =	sld [smem:$0x3FB2]  }
0x2a: {  	p0 =	seq.s32 s5, $0x0;
	s5 =	sld [smem:$0x3FB3]  }
0x2b: {  	s6 =	sld [smem:$0x3FB4]  }
0x2c: {  	s7 =	sld [smem:$0x3FB5]  }
0x2d: {  	s3 =	simm.s32 $0x108;
	s8 =	sld [smem:$0x3FB6]  }
0x2e: {  	s3 =	simm.s32 @!p0 $0x1082;
	s9 =	sld [smem:$0x3FB7]  }
0x2f: {  	lr =	sadd.s32 s0, s3;
	s0 =	sld [smem:$0x3FAE]  }
0x30: {  	s3 =	sld [smem:$0x3FB1]  }
0x31: {  	[smem:$0x3FBA] =	sst s10  }
0x32: {  	s10 =	sld [smem:$0x3FB8];
	_ =	sdelay $0x3  }
0x33: {  	p0 =	seq.s32 s10, $0x1;
	s10 =	sld [smem:$0x3FBA];
	_ =	sdelay $0x3  }
0x34: {  	[smem:$0x3FBA] =	sst s10  }
0x35: {  	s10 =	sld [smem:$0x3FB9];
	_ =	sdelay $0x3  }
0x36: {  	p1 =	seq.s32 s10, $0x1;
	s10 =	sld [smem:$0x3FBA];
	_ =	sdelay $0x3  }
0x37: {  	[smem:$0x3FBA] =	sst s10  }
0x38: {  	s10 =	sld [smem:$0x3FBB]  }
0x39: {  	_ = 	snop;
	(pc) =	sbr.ind lr, $3  }
0x3a: {  	_ = 	snop  }
0x3b: {  	_ = 	snop  }
0x3c: {  	p2 =	seq.s32 s10, $0x1;
	s10 =	sld [smem:$0x3FBA]  }
0x3d: {  	_ =	shalt  }
0x3e: {  	_ =	shalt  }
0x3f: {  	_ =	shalt  }
0x40: {  	_ =	shalt  }
0x41: {  	_ =	shalt  }
0x42: {  	_ =	shalt  }
0x43: {  	_ =	shalt  }
0x44: {  	_ =	shalt  }
0x45: {  	_ =	shalt  }
0x46: {  	_ =	shalt  }
0x47: {  	_ =	shalt  }
0x48: {  	_ =	shalt  }
0x49: {  	_ =	shalt  }
0x4a: {  	_ =	shalt  }
0x4b: {  	_ =	shalt  }
0x4c: {  	_ =	shalt  }
0x4d: {  	_ =	shalt  }
0x4e: {  	_ =	shalt  }
0x4f: {  	_ =	shalt  }
0x50: {  	_ =	shalt  }
0x51: {  	_ =	shalt  }
0x52: {  	_ =	shalt  }
0x53: {  	_ =	shalt  }
0x54: {  	_ =	shalt  }
0x55: {  	_ =	shalt  }
0x56: {  	_ =	shalt  }
0x57: {  	_ =	shalt  }
0x58: {  	_ =	shalt  }
0x59: {  	_ =	shalt  }
0x5a: {  	_ =	shalt  }
0x5b: {  	_ =	shalt  }
0x5c: {  	_ =	shalt  }
0x5d: {  	_ =	shalt  }
0x5e: {  	_ =	shalt  }
0x5f: {  	_ =	shalt  }
0x60: {  	_ =	shalt  }
0x61: {  	_ =	shalt  }
0x62: {  	_ =	shalt  }
0x63: {  	_ =	shalt  }
0x64: {  	_ =	shalt  }
0x65: {  	_ =	shalt  }
0x66: {  	_ =	shalt  }
0x67: {  	_ =	shalt  }
0x68: {  	_ =	shalt  }
0x69: {  	_ =	shalt  }
0x6a: {  	_ =	shalt  }
0x6b: {  	_ =	shalt  }
0x6c: {  	_ =	shalt  }
0x6d: {  	_ =	shalt  }
0x6e: {  	_ =	shalt  }
0x6f: {  	_ =	shalt  }
0x70: {  	_ =	shalt  }
0x71: {  	_ =	shalt  }
0x72: {  	_ =	shalt  }
0x73: {  	_ =	shalt  }
0x74: {  	_ =	shalt  }
0x75: {  	_ =	shalt  }
0x76: {  	_ =	shalt  }
0x77: {  	_ =	shalt  }
0x78: {  	_ =	shalt  }
0x79: {  	_ =	shalt  }
0x7a: {  	_ =	shalt  }
0x7b: {  	_ =	shalt  }
0x7c: {  	_ =	shalt  }
0x7d: {  	_ =	shalt  }
0x7e: {  	_ =	shalt  }
0x7f: {  	_ =	shalt  }
0x80: {  	_ =	shalt  }
0x81: {  	_ =	shalt  }
0x82: {  	_ =	shalt  }
0x83: {  	_ =	shalt  }
0x84: {  	_ =	shalt  }
0x85: {  	_ =	shalt  }
0x86: {  	_ =	shalt  }
0x87: {  	_ =	shalt  }
.Lfunc_end0:
.L_simem_size_0:
called_computation_lowered:
.L_overlay_start_0:
0x88: {  	s2 =	sld [smem:$0x3FD9]  }
0x89: {  	s3 =	sld [smem:$0x3FFE];
	_ =	sdelay $0x1  }
0x8a: {  	s1 =	srdreg.scid  }
0x8b: {  	s0 =	sand.u32 $0x1, s1  }
0x8c: {  	s17 =	sshll.u32 s0, $0xA;
	s2 =	sadd.s32 s3, s2  }
0x8d: {  	s2 =	sadd.s32 s2, s17  }
0x8e: {  	[smem:$0x3FC6] =	sst s2  }
0x8f: {  	_ = 	snop  }
0x90: {  	s2 =	sld [smem:$0x3FD0];
	(tm) =	ssettm $0x1  }
0x91: {  	s18 =	sld [smem:$0x3FFB];
	_ =	sdelay $0x3  }
0x92: {  	_ =	strace s18  }
0x93: {  	s3 =	sld [smem:$0x3FFC];
	_ =	sdelay $0x3  }
0x94: {  	_ =	strace s3  }
0x95: {  	s3 =	sld [smem:$0x3FFD];
	_ =	sdelay $0x3  }
0x96: {  	_ =	strace s3  }
0x97: {  	_ =	strace $0x8FFFFFFF  }
0x98: {  	s19 =	sld [smem:$0x3FDB];
	_ =	sdelay $0x1  }
0x99: {  	s4 =	simm.s32 $_scs_section_size  }
0x9a: {  	s5 =	simm.s32 $_size__tile_overlayer_lowered;
	s6 =	simm.s32 $_tile_overlayer_lowered  }
0x9b: {  	s22 =	simm.s32 $0x1BFF;
	s21 =	sshll.u32 s6, $0x1;
	s3 =	sadd.s32 s4, s19  }
0x9c: {  	s7 =	simm.s32 $0x0;
	s20 =	sshll.u32 s5, $0x1;
	s5 =	sadd.s32 s21, s3  }
0x9d: {  	[timem:s7], [sflag:s22] =	dma.local [hbm:s5], s20  }
0x9e: {  	_ =	swait.ge [sflag:s22], s20  }
0x9f: {  	s4 =	ssub.s32 $0x0, s20;
	[sflag:s22] =	ssyncset.done $0x0  }
0xa0: {  	[sflag:s22] =	ssyncadd.s32 s4;
	_ =	sdelay $0x1  }
0xa1: {  	s23 =	simm.s32 $0x1B8B  }
0xa2: {  	_ =	swait.ge [sflag:s23], $0x1  }
0xa3: {  	[sflag:s23] =	ssyncset.done $0x0  }
0xa4: {  	s25 =	simm.s32 $0x1B8E;
	s24 =	sld [smem:$0x3FFE];
	[sflag:s23] =	ssyncadd.s32 $0xFFFFFFFF  }
0xa5: {  	s26 =	simm.s32 $execute0_lowered;
	[smem:$0x3FD2] =	sst s25  }
0xa6: {  	s5 =	sshll.u32 s26, $0x1;
	_ =	strace $0x80000046;
	[dreg:$0x1] =	wrdreg $0xFFFFFFFF  }
0xa7: {  	s28 =	simm.s32 $_size_execute0_lowered;
	s3 =	sadd.s32 s3, s5;
	[dreg:$0x0] =	wrdreg $0x0  }
0xa8: {  	s5 =	sshll.u32 s28, $0x1;
	[dreg:$0x2] =	wrdreg s3  }
0xa9: {  	[dreg:$0x3] =	wrdreg s5  }
0xaa: {  	[dreg:$0x4] =	wrdreg $0xC0  }
0xab: {  	_ =	task [dreg:s7], $0x5FFFF  }
0xac: {  	[dreg:$0x1] =	wrdreg $0xFFFFFFFF  }
0xad: {  	[dreg:$0x0] =	wrdreg $0x60  }
0xae: {  	[dreg:$0x2] =	wrdreg s24  }
0xaf: {  	[dreg:$0x3] =	wrdreg s2  }
0xb0: {  	[dreg:$0x4] =	wrdreg $0x9  }
0xb1: {  	_ =	task.clear_ibuf [dreg:s7], $0x5FFFF;
	_ =	strace $0x90000046  }
0xb2: {  	s29 =	simm.s32 $0x9;
	_ =	strace $0x80000048  }
0xb3: {  	_ =	swait.ge [sflag:s29], $0x1  }
0xb4: {  	[sflag:s29] =	ssyncadd.s32 $0xFFFFFFFF  }
0xb5: {  	_ =	strace $0x90000048  }
0xb6: {  	_ =	sfence  }
0xb7: {  	s30 =	sld [smem:$0x0];
	_ =	sdelay $0x2  }
0xb8: {  	s31 =	sshll.u32 s1, $0xD;
	s1 =	sshrl.u32 s1, $0x2  }
0xb9: {  	s3 =	sand.u32 $0x4000, s31;
	s1 =	sadd.s32 s1, s30  }
0xba: {  	s0 =	sor.u32 s3, s0;
	s1 =	sshll.u32 s1, $0x11  }
0xbb: {  	s0 =	sor.u32 s1, s0  }
0xbc: {  	s0 =	sadd.s32 $0x8F2B, s0  }
0xbd: {  	[sflag:s0] =	ssyncadd.remote.s32 $0x1  }
0xbe: {  	_ =	sfence.sel $0xFFFF  }
0xbf: {  	[dreg:$0x0] =	wrdreg $0xFFFFFFFF;
	(pc) =	sbr.abs _section_cstart, $3  }
0xc0: {  	[dreg:$0x1] =	wrdreg $0xFFFFFFFF  }
0xc1: {  	_ =	task.clear_ibuf [dreg:s7], $0x2FFFF;
	_ =	strace $0x9FFFFFFF  }
0xc2: {  	(tm) =	ssettm $0x7FFFFFFF  }
0xc3: {  	_ =	shalt  }
tec
execute0_lowered:
.L_overlay_start_1:
0x0: {  	(tag) =	ssettag $0x1  }
0x1: {  	s3 =	rddreg [dreg:$0x0]  }
0x2: {  	s10 =	rddreg [dreg:$0x1]  }
0x3: {  	s0 =	rddreg [dreg:$0x2]  }
0x4: {  	s1 =	simm.s32 $0x0;
	s2 =	srdreg.scid;
	s14 =	simm.s32 $0x880  }
0x5: {  	s15 =	simm.s32 $0x400;
	s16 =	simm.s32 $0xC00;
	s17 =	simm.s32 $0x2  }
0x6: {  	s18 =	simm.s32 $0x1000;
	s19 =	simm.s32 $0x1800;
	s20 =	simm.s32 $0x1  }
0x7: {  	s21 =	simm.s32 $0x3;
	s22 =	simm.s32 $0x0;
	[smem:$0x7FF] =	sst s1  }
0x8: {  	s8 =	sadd.s32 $0x2600, s3;
	s4 =	sand.u32 $0x1, s2;
	s9 =	sadd.s32 $0x600, s3  }
0x9: {  	s2 =	stileid.u32;
	s3 =	sadd.s32 $0x4600, s3;
	s5 =	ssub.s32 $0x2, s4  }
0xa: {  	s7 =	sshll.u32 s2, $0x9;
	s4 =	sshll.u32 s4, $0x8;
	s6 =	sshrl.u32 s5, $0x1  }
0xb: {  	_ =	strace $0x80000047;
	s12 =	sor.u32 s4, s7;
	s11 =	ssub.s32 s5, s6  }
0xc: {  	s4 =	sadd.s32 s8, s12;
	s5 =	sadd.s32 s9, s12;
	s7 =	sor.u32 $0x10, s12  }
0xd: {  	s13 =	sor.u32 $0x80, s12;
	s10 =	sadd.s32 s10, s12;
	s12 =	simm.s32 $0x800  }
0xe: {  	s6 =	sadd.s32 s8, s7;
	s7 =	sadd.s32 s9, s7;
	s8 =	sadd.s32 s8, s13  }
0xf: {  	s9 =	sadd.s32 s9, s13;
	s11 =	smax.u32 s11, $0x1;
	s13 =	simm.s32 $0x80  }
.LBB2_1:
0x10: {  	[tilespmem:s1], [sflag:$0x2] =	stream.linear.gather [hbm4b:s4+s1], $0x80, $0x38;
	[tilespmem:$0x2000] =	vst v63  }
0x11: {  	_ = 	snop  }
0x12: {  	[tilespmem:s12], [sflag:$0x2] =	stream.linear.gather [hbm4b:s5+s1], $0x80, $0x38;
	[tilespmem:$0x2000] =	vst v63  }
0x13: {  	_ = 	snop  }
0x14: {  	[tilespmem:s13], [sflag:$0x2] =	stream.linear.gather [hbm4b:s6+s1], $0x380, $0x38;
	[tilespmem:$0x2000] =	vst v63  }
0x15: {  	_ = 	snop  }
0x16: {  	[tilespmem:s14], [sflag:$0x2] =	stream.linear.gather [hbm4b:s7+s1], $0x380, $0x38;
	[tilespmem:$0x2000] =	vst v63  }
0x17: {  	_ = 	snop  }
0x18: {  	[tilespmem:s15], [sflag:$0x2] =	stream.linear.gather [hbm4b:s8+s1], $0x400, $0x38;
	[tilespmem:$0x2000] =	vst v63  }
0x19: {  	_ = 	snop  }
0x1a: {  	[tilespmem:s16], [sflag:$0x2] =	stream.linear.gather [hbm4b:s9+s1], $0x400, $0x38;
	[tilespmem:$0x2000] =	vst v63  }
0x1b: {  	_ =	swait.ge [sflag:s17], $0x80  }
0x1c: {  	[sflag:s17] =	ssyncset.done $0x0  }
0x1d: {  	[sflag:s17] =	ssyncadd.s32 $0xFFFFFF80  }
0x1e: {  	_ =	swait.ge [sflag:s17], $0x80  }
0x1f: {  	[sflag:s17] =	ssyncset.done $0x0  }
0x20: {  	[sflag:s17] =	ssyncadd.s32 $0xFFFFFF80  }
0x21: {  	v0 =	vld [tilespmem:$0x0]  }
0x22: {  	v1 =	vld [tilespmem:$0x800]  }
0x23: {  	v2 =	vld [tilespmem:$0x10]  }
0x24: {  	v3 =	vld [tilespmem:$0x810]  }
0x25: {  	v4 =	vld [tilespmem:$0x20]  }
0x26: {  	v5 =	vld [tilespmem:$0x820]  }
0x27: {  	v6 =	vld [tilespmem:$0x30]  }
0x28: {  	v7 =	vld [tilespmem:$0x830]  }
0x29: {  	v8 =	vld [tilespmem:$0x40]  }
0x2a: {  	v9 =	vld [tilespmem:$0x840]  }
0x2b: {  	v10 =	vld [tilespmem:$0x50]  }
0x2c: {  	v11 =	vld [tilespmem:$0x850]  }
0x2d: {  	v12 =	vld [tilespmem:$0x60];
	v1 =	vshll.u32 v1, $0x9  }
0x2e: {  	v0 =	vadd.s32 v0, v1;
	v1 =	vshll.u32 v3, $0x9;
	v3 =	vld [tilespmem:$0x860]  }
0x2f: {  	[tilespmem:$0x1000] =	vst v0;
	v0 =	vadd.s32 v2, v1;
	v1 =	vshll.u32 v5, $0x9;
	v2 =	vld [tilespmem:$0x870]  }
0x30: {  	[tilespmem:$0x1010] =	vst v0;
	v0 =	vadd.s32 v4, v1;
	v1 =	vshll.u32 v7, $0x9;
	v4 =	vld [tilespmem:$0x70]  }
0x31: {  	[tilespmem:$0x1020] =	vst v0;
	v0 =	vadd.s32 v6, v1;
	v1 =	vshll.u32 v9, $0x9  }
0x32: {  	[tilespmem:$0x1030] =	vst v0;
	v0 =	vadd.s32 v8, v1;
	v1 =	vshll.u32 v11, $0x9  }
0x33: {  	[tilespmem:$0x1040] =	vst v0;
	v0 =	vadd.s32 v10, v1;
	v1 =	vshll.u32 v3, $0x9  }
0x34: {  	[tilespmem:$0x1050] =	vst v0;
	v0 =	vadd.s32 v12, v1;
	v1 =	vshll.u32 v2, $0x9  }
0x35: {  	[tilespmem:$0x1060] =	vst v0;
	v0 =	vadd.s32 v4, v1  }
0x36: {  	[tilespmem:$0x1070] =	vst v0  }
0x37: {  	[tilespmem:s19], [sflag:$0x1] =	stream.indirect.gather [hbm4b:s3+s13], $0x1, s18, s13, $0xb8;
	[tilespmem:$0x2000] =	vst v63  }
0x38: {  	_ =	swait.ge [sflag:s17], $0x380  }
0x39: {  	[sflag:s17] =	ssyncset.done $0x0  }
0x3a: {  	[sflag:s17] =	ssyncadd.s32 $0xFFFFFC80  }
0x3b: {  	_ =	swait.ge [sflag:s17], $0x380  }
0x3c: {  	[sflag:s17] =	ssyncset.done $0x0  }
0x3d: {  	s23 =	simm.s32 $0x0;
	[sflag:s17] =	ssyncadd.s32 $0xFFFFFC80  }
0x3e: {  	v7 =	vld [tilespmem:s23+$0x80]  }
0x3f: {  	v5 =	vld [tilespmem:s23+$0x90]  }
0x40: {  	v4 =	vld [tilespmem:s23+$0xA0]  }
0x41: {  	v3 =	vld [tilespmem:s23+$0xB0]  }
0x42: {  	v2 =	vld [tilespmem:s23+$0xC0]  }
0x43: {  	v1 =	vld [tilespmem:s23+$0xD0]  }
0x44: {  	v0 =	vld [tilespmem:s23+$0xE0]  }
0x45: {  	v6 =	vld [tilespmem:s23+$0x880]  }
0x46: {  	v12 =	vld [tilespmem:s23+$0x890]  }
0x47: {  	v10 =	vld [tilespmem:s23+$0x8A0]  }
0x48: {  	v9 =	vld [tilespmem:s23+$0x8B0]  }
0x49: {  	v8 =	vld [tilespmem:s23+$0x8C0]  }
0x4a: {  	v11 =	vshll.u32 v6, $0x9;
	v6 =	vld [tilespmem:s23+$0x8D0]  }
0x4b: {  	s24 =	simm.s32 $0x200;
	v12 =	vshll.u32 v12, $0x9;
	v11 =	vadd.s32 v7, v11;
	v7 =	vld [tilespmem:s23+$0x8E0]  }
.LBB2_2:
0x4c: {  	p0 =	sne.s32 s24, $0xC00;
	[tilespmem:s23+$0x1080] =	vst v11;
	v5 =	vadd.s32 v5, v12;
	v10 =	vshll.u32 v10, $0x9;
	v11 =	vld [tilespmem:s23+$0x8F0]  }
0x4d: {  	[tilespmem:s23+$0x1090] =	vst v5;
	v4 =	vadd.s32 v4, v10;
	v5 =	vshll.u32 v9, $0x9;
	v9 =	vld [tilespmem:s23+$0xF0]  }
0x4e: {  	[tilespmem:s23+$0x10A0] =	vst v4;
	v3 =	vadd.s32 v3, v5;
	v4 =	vshll.u32 v8, $0x9  }
0x4f: {  	[tilespmem:s23+$0x10B0] =	vst v3;
	v2 =	vadd.s32 v2, v4;
	v3 =	vshll.u32 v6, $0x9  }
0x50: {  	[tilespmem:s23+$0x10C0] =	vst v2;
	v1 =	vadd.s32 v1, v3;
	v2 =	vshll.u32 v7, $0x9  }
0x51: {  	[tilespmem:s23+$0x10D0] =	vst v1;
	v0 =	vadd.s32 v0, v2;
	v1 =	vshll.u32 v11, $0x9  }
0x52: {  	s25 =	sshra.s32 s24, $0x2;
	s26 =	sadd.s32 $0x1080, s23;
	s28 =	sadd.s32 $0x1880, s23;
	[tilespmem:s23+$0x10E0] =	vst v0;
	v0 =	vadd.s32 v9, v1  }
0x53: {  	[tilespmem:s23+$0x10F0] =	vst v0;
	[tilespmem:s28], [sflag:$0x1] =	stream.indirect.gather [hbm4b:s3+s13], $0x1, s26, s13, $0xb8  }
0x54: {  	s23 =	smov.u32 s25;
	v7 =	vld [tilespmem:s25+$0x80]  }
0x55: {  	v5 =	vld [tilespmem:s23+$0x90]  }
0x56: {  	v4 =	vld [tilespmem:s23+$0xA0]  }
0x57: {  	v3 =	vld [tilespmem:s23+$0xB0]  }
0x58: {  	v2 =	vld [tilespmem:s23+$0xC0]  }
0x59: {  	v1 =	vld [tilespmem:s23+$0xD0]  }
0x5a: {  	v0 =	vld [tilespmem:s23+$0xE0]  }
0x5b: {  	v6 =	vld [tilespmem:s23+$0x880]  }
0x5c: {  	v12 =	vld [tilespmem:s23+$0x890]  }
.Ltmp0:
0x5d: {  	v10 =	vld [tilespmem:s23+$0x8A0];
	(pc) =	sbr.rel @p0 .LBB2_2-.Ltmp0, $4  }
0x5e: {  	v9 =	vld [tilespmem:s23+$0x8B0]  }
0x5f: {  	v8 =	vld [tilespmem:s23+$0x8C0]  }
0x60: {  	v11 =	vshll.u32 v6, $0x9;
	v6 =	vld [tilespmem:s23+$0x8D0]  }
0x61: {  	s24 =	sadd.s32 $0x200, s24;
	v11 =	vadd.s32 v7, v11;
	v12 =	vshll.u32 v12, $0x9;
	v7 =	vld [tilespmem:s23+$0x8E0]  }
0x62: {  	[tilespmem:s23+$0x1080] =	vst v11;
	v5 =	vadd.s32 v5, v12;
	v11 =	vld [tilespmem:s23+$0x8F0];
	v10 =	vshll.u32 v10, $0x9  }
0x63: {  	[tilespmem:s23+$0x1090] =	vst v5;
	v4 =	vadd.s32 v4, v10;
	v5 =	vshll.u32 v9, $0x9;
	v9 =	vld [tilespmem:s23+$0xF0]  }
0x64: {  	[tilespmem:s23+$0x10A0] =	vst v4;
	v3 =	vadd.s32 v3, v5;
	v4 =	vshll.u32 v8, $0x9  }
0x65: {  	[tilespmem:s23+$0x10B0] =	vst v3;
	v2 =	vadd.s32 v2, v4;
	v3 =	vshll.u32 v6, $0x9  }
0x66: {  	[tilespmem:s23+$0x10C0] =	vst v2;
	v1 =	vadd.s32 v1, v3;
	v2 =	vshll.u32 v7, $0x9  }
0x67: {  	[tilespmem:s23+$0x10D0] =	vst v1;
	v0 =	vadd.s32 v0, v2;
	v1 =	vshll.u32 v11, $0x9  }
0x68: {  	[tilespmem:s23+$0x10E0] =	vst v0;
	v0 =	vadd.s32 v9, v1  }
0x69: {  	s24 =	sadd.s32 $0x1080, s23;
	s25 =	sadd.s32 $0x1880, s23;
	[tilespmem:s23+$0x10F0] =	vst v0  }
0x6a: {  	[tilespmem:s25], [sflag:$0x1] =	stream.indirect.gather [hbm4b:s3+s13], $0x1, s24, s13, $0xb8;
	[tilespmem:$0x2000] =	vst v63  }
0x6b: {  	_ =	swait.ge [sflag:s17], $0x400  }
0x6c: {  	[sflag:s17] =	ssyncset.done $0x0  }
0x6d: {  	[sflag:s17] =	ssyncadd.s32 $0xFFFFFC00  }
0x6e: {  	_ =	swait.ge [sflag:s17], $0x400  }
0x6f: {  	[sflag:s17] =	ssyncset.done $0x0  }
0x70: {  	s23 =	simm.s32 $0x0;
	[sflag:s17] =	ssyncadd.s32 $0xFFFFFC00  }
0x71: {  	v7 =	vld [tilespmem:s23+$0x400]  }
0x72: {  	v5 =	vld [tilespmem:s23+$0x410]  }
0x73: {  	v4 =	vld [tilespmem:s23+$0x420]  }
0x74: {  	v3 =	vld [tilespmem:s23+$0x430]  }
0x75: {  	v2 =	vld [tilespmem:s23+$0x440]  }
0x76: {  	v1 =	vld [tilespmem:s23+$0x450]  }
0x77: {  	v0 =	vld [tilespmem:s23+$0x460]  }
0x78: {  	v6 =	vld [tilespmem:s23+$0xC00]  }
0x79: {  	v12 =	vld [tilespmem:s23+$0xC10]  }
0x7a: {  	v10 =	vld [tilespmem:s23+$0xC20]  }
0x7b: {  	v9 =	vld [tilespmem:s23+$0xC30]  }
0x7c: {  	v8 =	vld [tilespmem:s23+$0xC40]  }
0x7d: {  	v11 =	vshll.u32 v6, $0x9;
	v6 =	vld [tilespmem:s23+$0xC50]  }
0x7e: {  	s24 =	simm.s32 $0x200;
	v12 =	vshll.u32 v12, $0x9;
	v11 =	vadd.s32 v7, v11;
	v7 =	vld [tilespmem:s23+$0xC60]  }
.LBB2_4:
0x7f: {  	p0 =	sne.s32 s24, $0xE00;
	[tilespmem:s23+$0x1400] =	vst v11;
	v5 =	vadd.s32 v5, v12;
	v10 =	vshll.u32 v10, $0x9;
	v11 =	vld [tilespmem:s23+$0xC70]  }
0x80: {  	[tilespmem:s23+$0x1410] =	vst v5;
	v4 =	vadd.s32 v4, v10;
	v5 =	vshll.u32 v9, $0x9;
	v9 =	vld [tilespmem:s23+$0x470]  }
0x81: {  	[tilespmem:s23+$0x1420] =	vst v4;
	v3 =	vadd.s32 v3, v5;
	v4 =	vshll.u32 v8, $0x9  }
0x82: {  	[tilespmem:s23+$0x1430] =	vst v3;
	v2 =	vadd.s32 v2, v4;
	v3 =	vshll.u32 v6, $0x9  }
0x83: {  	[tilespmem:s23+$0x1440] =	vst v2;
	v1 =	vadd.s32 v1, v3;
	v2 =	vshll.u32 v7, $0x9  }
0x84: {  	[tilespmem:s23+$0x1450] =	vst v1;
	v0 =	vadd.s32 v0, v2;
	v1 =	vshll.u32 v11, $0x9  }
0x85: {  	s25 =	sshra.s32 s24, $0x2;
	s26 =	sadd.s32 $0x1400, s23;
	s28 =	sadd.s32 $0x1C00, s23;
	[tilespmem:s23+$0x1460] =	vst v0;
	v0 =	vadd.s32 v9, v1  }
0x86: {  	[tilespmem:s23+$0x1470] =	vst v0;
	[tilespmem:s28], [sflag:$0x1] =	stream.indirect.gather [hbm4b:s3+s13], $0x1, s26, s13, $0xb8  }
0x87: {  	s23 =	smov.u32 s25;
	v7 =	vld [tilespmem:s25+$0x400]  }
0x88: {  	v5 =	vld [tilespmem:s23+$0x410]  }
0x89: {  	v4 =	vld [tilespmem:s23+$0x420]  }
0x8a: {  	v3 =	vld [tilespmem:s23+$0x430]  }
0x8b: {  	v2 =	vld [tilespmem:s23+$0x440]  }
0x8c: {  	v1 =	vld [tilespmem:s23+$0x450]  }
0x8d: {  	v0 =	vld [tilespmem:s23+$0x460]  }
0x8e: {  	v6 =	vld [tilespmem:s23+$0xC00]  }
0x8f: {  	v12 =	vld [tilespmem:s23+$0xC10]  }
.Ltmp1:
0x90: {  	v10 =	vld [tilespmem:s23+$0xC20];
	(pc) =	sbr.rel @p0 .LBB2_4-.Ltmp1, $4  }
0x91: {  	v9 =	vld [tilespmem:s23+$0xC30]  }
0x92: {  	v8 =	vld [tilespmem:s23+$0xC40]  }
0x93: {  	v11 =	vshll.u32 v6, $0x9;
	v6 =	vld [tilespmem:s23+$0xC50]  }
0x94: {  	s24 =	sadd.s32 $0x200, s24;
	v11 =	vadd.s32 v7, v11;
	v12 =	vshll.u32 v12, $0x9;
	v7 =	vld [tilespmem:s23+$0xC60]  }
0x95: {  	[tilespmem:s23+$0x1400] =	vst v11;
	v5 =	vadd.s32 v5, v12;
	v56 =	vld [tilespmem:s23+$0xC70];
	v10 =	vshll.u32 v10, $0x9  }
0x96: {  	v58 =	vld [tilespmem:s23+$0x470];
	[tilespmem:s23+$0x1410] =	vst v5;
	v4 =	vadd.s32 v4, v10;
	v57 =	vshll.u32 v9, $0x9  }
0x97: {  	[tilespmem:s23+$0x1420] =	vst v4;
	v3 =	vadd.s32 v3, v57;
	v59 =	vshll.u32 v8, $0x9  }
0x98: {  	[tilespmem:s23+$0x1430] =	vst v3;
	v2 =	vadd.s32 v2, v59;
	v60 =	vshll.u32 v6, $0x9  }
0x99: {  	[tilespmem:s23+$0x1440] =	vst v2;
	v1 =	vadd.s32 v1, v60;
	v61 =	vshll.u32 v7, $0x9  }
0x9a: {  	[tilespmem:s23+$0x1450] =	vst v1;
	v0 =	vadd.s32 v0, v61;
	v62 =	vshll.u32 v56, $0x9  }
0x9b: {  	[tilespmem:s23+$0x1460] =	vst v0;
	v63 =	vadd.s32 v58, v62  }
0x9c: {  	s24 =	sadd.s32 $0x1400, s23;
	s25 =	sadd.s32 $0x1C00, s23;
	[tilespmem:s23+$0x1470] =	vst v63  }
0x9d: {  	[tilespmem:s25], [sflag:$0x1] =	stream.indirect.gather [hbm4b:s3+s13], $0x1, s24, s13, $0xb8;
	[tilespmem:$0x2000] =	vst v63  }
0x9e: {  	s22 =	sadd.s32 $0x1, s22;
	_ =	swait.ge [sflag:s20], $0x800  }
0x9f: {  	p0 =	sne.s32 s22, s11;
	[sflag:s20] =	ssyncset.done $0x0  }
.Ltmp2:
0xa0: {  	[sflag:s20] =	ssyncadd.s32 $0xFFFFF800;
	(pc) =	sbr.rel @p0 .LBB2_1-.Ltmp2, $4  }
0xa1: {  	[hbm4b:s10+s1] =	stream.linear.scatter [tilespmem:s19], [sflag:$0x3], $0x800, $0x38;
	[tilespmem:$0x2000] =	vst v63  }
0xa2: {  	_ =	swait.ge [sflag:s21], $0x800  }
0xa3: {  	[sflag:s21] =	ssyncset.done $0x0  }
0xa4: {  	[sflag:s21] =	ssyncadd.s32 $0xFFFFF800  }
0xa5: {  	_ =	sfence.sel $0x180000  }
0xa6: {  	[bflag:$0x0] =	sbarrier.arrive $0xFFFF  }
0xa7: {  	p0 =	sne.s32 s2, $0x0;
	_ =	strace $0x90000047  }
0xa8: {  	s0 =	sadd.s32 @!p0 $0x100000, s0;
	[bflag:$0x2] =	sbarrier.arrive $0xFFFF  }
0xa9: {  	[sflag:s0] =	ssyncadd.tile.s32 @!p0 $0x1;
	_ =	shalt  }
.Lfunc_end2:
_tile_overlayer_lowered:
.L_overlay_start_2:
0xaa: {  	(tag) =	ssettag $0x2  }
0xab: {  	s0 =	rddreg [dreg:$0x0];
	s2 =	stileid.u32  }
0xac: {  	s1 =	rddreg [dreg:$0x1];
	p0 =	sne.s32 s2, $0x0  }
0xad: {  	s3 =	rddreg [dreg:$0x2];
	[bflag:$0x3] =	sbarrier.arrive $0xFFFF;
	s2 =	simm.s32 @!p0 $0x1C03  }
0xae: {  	[timem:s3], [sflag:s2] =	dma.local @!p0 [hbm:s0], s1  }
0xaf: {  	s0 =	simm.s32 @!p0 $0x3  }
0xb0: {  	_ =	swait.ge @!p0 [sflag:s0], s1  }
0xb1: {  	s1 =	ssub.s32 @!p0 $0x0, s1;
	[sflag:s0] =	ssyncset.done @!p0 $0x0  }
0xb2: {  	[sflag:s0] =	ssyncadd.s32 @!p0 s1  }
0xb3: {  	[bflag:$0x3] =	sbarrier.arrive $0xFFFF  }
0xb4: {  	_ =	shalt  }

</sc_bundles>
